<compile_context>
chip_gen: v7x
topology: tpu7x:2x2x1
jax: 0.10.2.dev20260603
libtpu: 0.0.44.dev20260713+nightly
codegen_flags: <defaults>
</compile_context>

<pallas_src>
import functools

import jax
import jax.numpy as jnp
from jax import lax
from jax.experimental import pallas as pl
from jax.experimental.pallas import tpu as pltpu
from jax.experimental.pallas import tpu_sc as plsc

_NC = 2
_NS = 16
_CH = 80


def _expand_kernel(x_ref, g_ref, be_ref, mu_ref, var_ref, w_ref, y_ref):
    eps = 1e-5
    x = x_ref[...]
    scale = g_ref[...] * lax.rsqrt(var_ref[...] + eps)
    h = (x - mu_ref[...]) * scale + be_ref[...]
    h = h * (1.0 / (1.0 + jnp.exp(-h)))
    for k in range(w_ref.shape[0]):
        y_ref[k] = jnp.dot(h, w_ref[k], preferred_element_type=jnp.float32)


def _expand_y(x, bn_gamma, bn_beta, bn_mean, bn_var, W):
    n, f_in = x.shape
    kvol, _, f_out = W.shape
    bn = 400
    grid = (n // bn,)
    return pl.pallas_call(
        _expand_kernel,
        grid=grid,
        in_specs=[
            pl.BlockSpec((bn, f_in), lambda i: (i, 0)),
            pl.BlockSpec((1, f_in), lambda i: (0, 0)),
            pl.BlockSpec((1, f_in), lambda i: (0, 0)),
            pl.BlockSpec((1, f_in), lambda i: (0, 0)),
            pl.BlockSpec((1, f_in), lambda i: (0, 0)),
            pl.BlockSpec((kvol, f_in, f_out), lambda i: (0, 0, 0)),
        ],
        out_specs=pl.BlockSpec((kvol, bn, f_out), lambda i: (0, i, 0)),
        out_shape=jax.ShapeDtypeStruct((kvol, n, f_out), jnp.float32),
    )(x, bn_gamma.reshape(1, -1), bn_beta.reshape(1, -1),
      bn_mean.reshape(1, -1), bn_var.reshape(1, -1), W)


def _sc_gather_scatter(y, src, dst, kid, n_nodes):
    e = src.shape[0]
    f = y.shape[1]
    nw = _NC * _NS
    epw = e // nw
    nch = epw // _CH
    rch = 80
    nrch = n_nodes // rch

    mesh = plsc.VectorSubcoreMesh(core_axis_name="c", subcore_axis_name="s")

    @functools.partial(
        pl.kernel, mesh=mesh,
        out_type=jax.ShapeDtypeStruct((_NC * n_nodes, f), jnp.float32),
        scratch_types=[
            pltpu.VMEM((epw,), jnp.int32),
            pltpu.VMEM((epw,), jnp.int32),
            pltpu.VMEM((_CH,), jnp.int32),
            pltpu.VMEM((_CH,), jnp.int32),
            pltpu.VMEM((_CH,), jnp.int32),
            pltpu.VMEM((_CH,), jnp.int32),
            pltpu.VMEM((_CH, f), jnp.float32),
            pltpu.VMEM((_CH, f), jnp.float32),
            pltpu.VMEM_SHARED((n_nodes, f), jnp.float32),
            pltpu.SemaphoreType.DMA,
            pltpu.SemaphoreType.DMA,
            pltpu.SemaphoreType.DMA,
            pltpu.SemaphoreType.DMA,
        ],
    )
    def body(y_hbm, src_hbm, dst_hbm, kid_hbm, zero_hbm, out_hbm,
             src_v, kid_v, gidx0_v, gidx1_v, sidx0_v, sidx1_v,
             rows0_v, rows1_v, acc_sh, sem0, sem1, semd0, semd1):
        c = lax.axis_index("c")
        s = lax.axis_index("s")
        wid = c * _NS + s
        for t in range((nrch + _NS - 1) // _NS):
            rj = s + _NS * t
            @pl.when(rj < nrch)
            def _():
                pltpu.sync_copy(zero_hbm.at[pl.ds(rj * rch, rch)],
                                acc_sh.at[pl.ds(rj * rch, rch)])
        base_e = wid * epw
        pltpu.sync_copy(src_hbm.at[pl.ds(base_e, epw)], src_v)
        pltpu.sync_copy(kid_hbm.at[pl.ds(base_e, epw)], kid_v)
        plsc.subcore_barrier()

        def compute_idx(j, gidx_v):
            base = j * _CH
            for i in range(_CH // 16):
                o = base + i * 16
                s16 = src_v[pl.ds(o, 16)]
                k16 = kid_v[pl.ds(o, 16)]
                gidx_v[pl.ds(i * 16, 16)] = k16 * n_nodes + s16

        def fire(gidx_v, rows_v, sem):
            pltpu.async_copy(y_hbm.at[gidx_v], rows_v, sem)

        def drain(gidx_v, rows_v, sem):
            pltpu.make_async_copy(y_hbm.at[gidx_v], rows_v, sem).wait()

        def fire_d(j, sidx_v, semd):
            pltpu.async_copy(dst_hbm.at[pl.ds(base_e + j * _CH, _CH)],
                             sidx_v, semd)

        def drain_d(sidx_v, semd):
            pltpu.make_async_copy(dst_hbm.at[pl.ds(base_e, _CH)],
                                  sidx_v, semd).wait()

        def scat(rows_v, sidx_v):
            pltpu.sync_copy(rows_v, acc_sh.at[sidx_v], add=True)

        compute_idx(0, gidx0_v)
        fire(gidx0_v, rows0_v, sem0)
        fire_d(0, sidx0_v, semd0)

        def pair(t, carry):
            j0 = 2 * t
            compute_idx(j0 + 1, gidx1_v)
            fire(gidx1_v, rows1_v, sem1)
            fire_d(j0 + 1, sidx1_v, semd1)
            drain(gidx0_v, rows0_v, sem0)
            drain_d(sidx0_v, semd0)
            scat(rows0_v, sidx0_v)
            compute_idx(j0 + 2, gidx0_v)
            fire(gidx0_v, rows0_v, sem0)
            fire_d(j0 + 2, sidx0_v, semd0)
            drain(gidx1_v, rows1_v, sem1)
            drain_d(sidx1_v, semd1)
            scat(rows1_v, sidx1_v)
            return carry

        lax.fori_loop(0, (nch - 1) // 2, pair, 0)
        drain(gidx0_v, rows0_v, sem0)
        drain_d(sidx0_v, semd0)
        scat(rows0_v, sidx0_v)
        plsc.subcore_barrier()
        for t in range((nrch + _NS - 1) // _NS):
            rj = s + _NS * t
            @pl.when(rj < nrch)
            def _():
                pltpu.sync_copy(acc_sh.at[pl.ds(rj * rch, rch)],
                                out_hbm.at[pl.ds(c * n_nodes + rj * rch, rch)])

    zeros = jnp.zeros((n_nodes, f), jnp.float32)
    return body(y, src, dst, kid, zeros)


def _combine_kernel(p_ref, b_ref, o_ref):
    o_ref[...] = p_ref[0] + p_ref[1] + b_ref[...]


def _combine(parts, b, n_nodes, f_out):
    bn = 1000
    grid = (n_nodes // bn,)
    return pl.pallas_call(
        _combine_kernel,
        grid=grid,
        in_specs=[
            pl.BlockSpec((2, bn, f_out), lambda i: (0, i, 0)),
            pl.BlockSpec((1, f_out), lambda i: (0, 0)),
        ],
        out_specs=pl.BlockSpec((bn, f_out), lambda i: (i, 0)),
        out_shape=jax.ShapeDtypeStruct((n_nodes, f_out), jnp.float32),
    )(parts, b.reshape(1, -1))


def kernel(x, edge_index, kernel_id, bn_gamma, bn_beta, bn_mean, bn_var, W, b):
    n, _ = x.shape
    kvol, _, f_out = W.shape
    y = _expand_y(x, bn_gamma, bn_beta, bn_mean, bn_var, W)
    y = y.reshape(kvol * n, f_out)
    src = edge_index[0]
    dst = edge_index[1]
    parts = _sc_gather_scatter(y, src, dst, kernel_id, n)
    return _combine(parts.reshape(2, n, f_out), b, n, f_out)

# --- scband reference (transcript-rebuilt; emitter-appended) ---
"""Pipeline reference for scband-sparse-conv3-dblock-31473520345591 (READ-ONLY COPY).

The authoritative reference and input builder live on the scoring server;
editing this copy changes nothing except your own understanding.
"""

import jax, jax.numpy as jnp
import numpy as np

N = 10000
E = 320000
F_IN = 128
F_OUT = 128
KVOL = 27  # 3x3x3 kernel volume


def setup_inputs(seed: int = 0) -> dict:
    key = jax.random.key(seed)
    ks = jax.random.split(key, 10)
    x = jax.random.normal(ks[0], (N, F_IN), dtype=jnp.float32)
    # torchsparse kernel map emulation: (src voxel, dst voxel) pairs, each tagged
    # with the 3x3x3 kernel-offset id that relates the two coordinates.
    edge_index = jax.random.randint(ks[1], (2, E), 0, N)
    kernel_id = jax.random.randint(ks[2], (E,), 0, KVOL)
    # spnn.BatchNorm parameters (inference-style with running stats)
    bn_gamma = jax.random.uniform(ks[3], (F_IN,), minval=0.5, maxval=1.5, dtype=jnp.float32)
    bn_beta = jax.random.normal(ks[4], (F_IN,), dtype=jnp.float32) * 0.1
    bn_mean = jax.random.normal(ks[5], (F_IN,), dtype=jnp.float32) * 0.1
    bn_var = jax.random.uniform(ks[6], (F_IN,), minval=0.5, maxval=1.5, dtype=jnp.float32)
    # spnn.Conv3d weight: one [F_IN, F_OUT] matrix per kernel offset, plus bias
    W = jax.random.normal(ks[7], (KVOL, F_IN, F_OUT), dtype=jnp.float32) / np.sqrt(F_IN * KVOL)
    b = jax.random.normal(ks[8], (F_OUT,), dtype=jnp.float32) * 0.01
    return {"x": x, "edge_index": edge_index, "kernel_id": kernel_id,
            "bn_gamma": bn_gamma, "bn_beta": bn_beta, "bn_mean": bn_mean,
            "bn_var": bn_var, "W": W, "b": b}


def reference(x, edge_index, kernel_id, bn_gamma, bn_beta, bn_mean, bn_var, W, b):
    eps = 1e-5
    # spnn.BatchNorm (running-stats normalization over feature dim)
    h = (x - bn_mean) / jnp.sqrt(bn_var + eps) * bn_gamma + bn_beta
    # spnn.SiLU
    h = h * jax.nn.sigmoid(h)
    # spnn.Conv3d as gather -> per-offset scatter-add -> matmul:
    # out[dst] = sum_k W[k]^T * sum_{e : kernel_id[e]==k, dst_e==dst} h[src_e] + b
    src = edge_index[0]
    dst = edge_index[1]
    h_src = jnp.take(h, src, axis=0)  # [E, F_IN] gather
    out = jnp.zeros((N, F_OUT), dtype=h.dtype)
    for k in range(KVOL):
        mask = (kernel_id == k).astype(h.dtype)[:, None]
        agg = jax.ops.segment_sum(h_src * mask, dst, num_segments=N)  # [N, F_IN]
        out = out + agg @ W[k]
    out = out + b
    return out

if __name__ == "__main__":
    import jax
    _d = setup_inputs()
    print(jax.jit(kernel)(*tuple(_d.values())))

</pallas_src>

<mosaic_0001>
#map = affine_map<(d0, d1) -> (0, 0)>
#map1 = affine_map<(d0, d1) -> (0)>
module attributes {stable_mosaic.version = 14 : i64} {
  func.func @body(%arg0: i32, %arg1: i32, %arg2: memref<270000x128xf32, #tpu.memory_space<hbm>>, %arg3: memref<320000xi32, #tpu.memory_space<hbm>>, %arg4: memref<320000xi32, #tpu.memory_space<hbm>>, %arg5: memref<320000xi32, #tpu.memory_space<hbm>>, %arg6: memref<10000x128xf32, #tpu.memory_space<hbm>>, %arg7: memref<20000x128xf32, #tpu.memory_space<hbm>>, %arg8: memref<10000xi32, #tpu.memory_space<vmem>>, %arg9: memref<10000xi32, #tpu.memory_space<vmem>>, %arg10: memref<80xi32, #tpu.memory_space<vmem>>, %arg11: memref<80xi32, #tpu.memory_space<vmem>>, %arg12: memref<80xi32, #tpu.memory_space<vmem>>, %arg13: memref<80xi32, #tpu.memory_space<vmem>>, %arg14: memref<80x128xf32, #tpu.memory_space<vmem>>, %arg15: memref<80x128xf32, #tpu.memory_space<vmem>>, %arg16: memref<10000x128xf32, #tpu.memory_space<vmem_shared>>, %arg17: memref<!tpu.dma_semaphore, #tpu.memory_space<semaphore_mem>>, %arg18: memref<!tpu.dma_semaphore, #tpu.memory_space<semaphore_mem>>, %arg19: memref<!tpu.dma_semaphore, #tpu.memory_space<semaphore_mem>>, %arg20: memref<!tpu.dma_semaphore, #tpu.memory_space<semaphore_mem>>) attributes {dimension_semantics = [#tpu.dimension_semantics<core_parallel>, #tpu.dimension_semantics<subcore_parallel>], iteration_bounds = array<i64: 2, 16>, scalar_prefetch = 0 : i64, scratch_operands = 13 : i64, tpu.core_type = #tpu.core_type<sc_vector_subcore>, window_params = [{transform_indices = #map}, {transform_indices = #map1}, {transform_indices = #map1}, {transform_indices = #map1}, {transform_indices = #map}, {transform_indices = #map}]} {
    %mul3A = arith.constant 16 : i32
    %mul3A_0 = arith.muli %arg0, %mul3A : i32
    %add3A = arith.addi %mul3A_0, %arg1 : i32
    %add3A_1 = arith.constant 0 : i32
    %add3A_2 = arith.addi %arg1, %add3A_1 : i32
    %lt3A = arith.constant 125 : i32
    %lt3A_3 = arith.cmpi slt, %add3A_2, %lt3A : i32
    %convert_element_type3A = arith.extui %lt3A_3 : i1 to i32
    %cond3A = arith.constant 0 : i32
    %cond3A_4 = arith.cmpi ne, %convert_element_type3A, %cond3A : i32
    scf.if %cond3A_4 {
      %mul3A_196 = arith.constant 80 : i32
      %mul3A_197 = arith.muli %add3A_2, %mul3A_196 : i32
      %mul3A_198 = arith.constant 80 : i32
      %mul3A_199 = arith.muli %add3A_2, %mul3A_198 : i32
      "tpu.region"() ({
        %run_scoped3A = tpu.sem_alloc : memref<!tpu.dma_semaphore, #tpu.memory_space<semaphore_mem>>
        %dma_start3A_200 = arith.constant 0 : i32
        %dma_start3A_201 = tpu.memref_slice %arg16[%mul3A_199, %dma_start3A_200] : memref<10000x128xf32, #tpu.memory_space<vmem_shared>> -> memref<80x128xf32, #tpu.memory_space<vmem_shared>>
        %dma_start3A_202 = arith.constant 0 : i32
        %dma_start3A_203 = tpu.memref_slice %arg6[%mul3A_197, %dma_start3A_202] : memref<10000x128xf32, #tpu.memory_space<hbm>> -> memref<80x128xf32, #tpu.memory_space<hbm>>
        tpu.enqueue_dma source(%dma_start3A_203 : memref<80x128xf32, #tpu.memory_space<hbm>>) target(%dma_start3A_201 : memref<80x128xf32, #tpu.memory_space<vmem_shared>>) target_semaphore(%run_scoped3A : memref<!tpu.dma_semaphore, #tpu.memory_space<semaphore_mem>>)
        %dma_wait3A_204 = arith.constant 0 : i32
        %dma_wait3A_205 = tpu.memref_slice %arg16[%mul3A_199, %dma_wait3A_204] : memref<10000x128xf32, #tpu.memory_space<vmem_shared>> -> memref<80x128xf32, #tpu.memory_space<vmem_shared>>
        %dma_wait3A_206 = arith.constant 0 : i32
        %dma_wait3A_207 = tpu.memref_slice %arg6[%mul3A_197, %dma_wait3A_206] : memref<10000x128xf32, #tpu.memory_space<hbm>> -> memref<80x128xf32, #tpu.memory_space<hbm>>
        tpu.wait_dma2 semaphore(%run_scoped3A : memref<!tpu.dma_semaphore, #tpu.memory_space<semaphore_mem>>) src(%dma_wait3A_207 : memref<80x128xf32, #tpu.memory_space<hbm>>) dst(%dma_wait3A_205 : memref<80x128xf32, #tpu.memory_space<vmem_shared>>)
        tpu.yield
      }) : () -> ()
    } else {
    }
    %add3A_5 = arith.constant 16 : i32
    %add3A_6 = arith.addi %arg1, %add3A_5 : i32
    %lt3A_7 = arith.constant 125 : i32
    %lt3A_8 = arith.cmpi slt, %add3A_6, %lt3A_7 : i32
    %convert_element_type3A_9 = arith.extui %lt3A_8 : i1 to i32
    %cond3A_10 = arith.constant 0 : i32
    %cond3A_11 = arith.cmpi ne, %convert_element_type3A_9, %cond3A_10 : i32
    scf.if %cond3A_11 {
      %mul3A_196 = arith.constant 80 : i32
      %mul3A_197 = arith.muli %add3A_6, %mul3A_196 : i32
      %mul3A_198 = arith.constant 80 : i32
      %mul3A_199 = arith.muli %add3A_6, %mul3A_198 : i32
      "tpu.region"() ({
        %run_scoped3A = tpu.sem_alloc : memref<!tpu.dma_semaphore, #tpu.memory_space<semaphore_mem>>
        %dma_start3A_200 = arith.constant 0 : i32
        %dma_start3A_201 = tpu.memref_slice %arg16[%mul3A_199, %dma_start3A_200] : memref<10000x128xf32, #tpu.memory_space<vmem_shared>> -> memref<80x128xf32, #tpu.memory_space<vmem_shared>>
        %dma_start3A_202 = arith.constant 0 : i32
        %dma_start3A_203 = tpu.memref_slice %arg6[%mul3A_197, %dma_start3A_202] : memref<10000x128xf32, #tpu.memory_space<hbm>> -> memref<80x128xf32, #tpu.memory_space<hbm>>
        tpu.enqueue_dma source(%dma_start3A_203 : memref<80x128xf32, #tpu.memory_space<hbm>>) target(%dma_start3A_201 : memref<80x128xf32, #tpu.memory_space<vmem_shared>>) target_semaphore(%run_scoped3A : memref<!tpu.dma_semaphore, #tpu.memory_space<semaphore_mem>>)
        %dma_wait3A_204 = arith.constant 0 : i32
        %dma_wait3A_205 = tpu.memref_slice %arg16[%mul3A_199, %dma_wait3A_204] : memref<10000x128xf32, #tpu.memory_space<vmem_shared>> -> memref<80x128xf32, #tpu.memory_space<vmem_shared>>
        %dma_wait3A_206 = arith.constant 0 : i32
        %dma_wait3A_207 = tpu.memref_slice %arg6[%mul3A_197, %dma_wait3A_206] : memref<10000x128xf32, #tpu.memory_space<hbm>> -> memref<80x128xf32, #tpu.memory_space<hbm>>
        tpu.wait_dma2 semaphore(%run_scoped3A : memref<!tpu.dma_semaphore, #tpu.memory_space<semaphore_mem>>) src(%dma_wait3A_207 : memref<80x128xf32, #tpu.memory_space<hbm>>) dst(%dma_wait3A_205 : memref<80x128xf32, #tpu.memory_space<vmem_shared>>)
        tpu.yield
      }) : () -> ()
    } else {
    }
    %add3A_12 = arith.constant 32 : i32
    %add3A_13 = arith.addi %arg1, %add3A_12 : i32
    %lt3A_14 = arith.constant 125 : i32
    %lt3A_15 = arith.cmpi slt, %add3A_13, %lt3A_14 : i32
    %convert_element_type3A_16 = arith.extui %lt3A_15 : i1 to i32
    %cond3A_17 = arith.constant 0 : i32
    %cond3A_18 = arith.cmpi ne, %convert_element_type3A_16, %cond3A_17 : i32
    scf.if %cond3A_18 {
      %mul3A_196 = arith.constant 80 : i32
      %mul3A_197 = arith.muli %add3A_13, %mul3A_196 : i32
      %mul3A_198 = arith.constant 80 : i32
      %mul3A_199 = arith.muli %add3A_13, %mul3A_198 : i32
      "tpu.region"() ({
        %run_scoped3A = tpu.sem_alloc : memref<!tpu.dma_semaphore, #tpu.memory_space<semaphore_mem>>
        %dma_start3A_200 = arith.constant 0 : i32
        %dma_start3A_201 = tpu.memref_slice %arg16[%mul3A_199, %dma_start3A_200] : memref<10000x128xf32, #tpu.memory_space<vmem_shared>> -> memref<80x128xf32, #tpu.memory_space<vmem_shared>>
        %dma_start3A_202 = arith.constant 0 : i32
        %dma_start3A_203 = tpu.memref_slice %arg6[%mul3A_197, %dma_start3A_202] : memref<10000x128xf32, #tpu.memory_space<hbm>> -> memref<80x128xf32, #tpu.memory_space<hbm>>
        tpu.enqueue_dma source(%dma_start3A_203 : memref<80x128xf32, #tpu.memory_space<hbm>>) target(%dma_start3A_201 : memref<80x128xf32, #tpu.memory_space<vmem_shared>>) target_semaphore(%run_scoped3A : memref<!tpu.dma_semaphore, #tpu.memory_space<semaphore_mem>>)
        %dma_wait3A_204 = arith.constant 0 : i32
        %dma_wait3A_205 = tpu.memref_slice %arg16[%mul3A_199, %dma_wait3A_204] : memref<10000x128xf32, #tpu.memory_space<vmem_shared>> -> memref<80x128xf32, #tpu.memory_space<vmem_shared>>
        %dma_wait3A_206 = arith.constant 0 : i32
        %dma_wait3A_207 = tpu.memref_slice %arg6[%mul3A_197, %dma_wait3A_206] : memref<10000x128xf32, #tpu.memory_space<hbm>> -> memref<80x128xf32, #tpu.memory_space<hbm>>
        tpu.wait_dma2 semaphore(%run_scoped3A : memref<!tpu.dma_semaphore, #tpu.memory_space<semaphore_mem>>) src(%dma_wait3A_207 : memref<80x128xf32, #tpu.memory_space<hbm>>) dst(%dma_wait3A_205 : memref<80x128xf32, #tpu.memory_space<vmem_shared>>)
        tpu.yield
      }) : () -> ()
    } else {
    }
    %add3A_19 = arith.constant 48 : i32
    %add3A_20 = arith.addi %arg1, %add3A_19 : i32
    %lt3A_21 = arith.constant 125 : i32
    %lt3A_22 = arith.cmpi slt, %add3A_20, %lt3A_21 : i32
    %convert_element_type3A_23 = arith.extui %lt3A_22 : i1 to i32
    %cond3A_24 = arith.constant 0 : i32
    %cond3A_25 = arith.cmpi ne, %convert_element_type3A_23, %cond3A_24 : i32
    scf.if %cond3A_25 {
      %mul3A_196 = arith.constant 80 : i32
      %mul3A_197 = arith.muli %add3A_20, %mul3A_196 : i32
      %mul3A_198 = arith.constant 80 : i32
      %mul3A_199 = arith.muli %add3A_20, %mul3A_198 : i32
      "tpu.region"() ({
        %run_scoped3A = tpu.sem_alloc : memref<!tpu.dma_semaphore, #tpu.memory_space<semaphore_mem>>
        %dma_start3A_200 = arith.constant 0 : i32
        %dma_start3A_201 = tpu.memref_slice %arg16[%mul3A_199, %dma_start3A_200] : memref<10000x128xf32, #tpu.memory_space<vmem_shared>> -> memref<80x128xf32, #tpu.memory_space<vmem_shared>>
        %dma_start3A_202 = arith.constant 0 : i32
        %dma_start3A_203 = tpu.memref_slice %arg6[%mul3A_197, %dma_start3A_202] : memref<10000x128xf32, #tpu.memory_space<hbm>> -> memref<80x128xf32, #tpu.memory_space<hbm>>
        tpu.enqueue_dma source(%dma_start3A_203 : memref<80x128xf32, #tpu.memory_space<hbm>>) target(%dma_start3A_201 : memref<80x128xf32, #tpu.memory_space<vmem_shared>>) target_semaphore(%run_scoped3A : memref<!tpu.dma_semaphore, #tpu.memory_space<semaphore_mem>>)
        %dma_wait3A_204 = arith.constant 0 : i32
        %dma_wait3A_205 = tpu.memref_slice %arg16[%mul3A_199, %dma_wait3A_204] : memref<10000x128xf32, #tpu.memory_space<vmem_shared>> -> memref<80x128xf32, #tpu.memory_space<vmem_shared>>
        %dma_wait3A_206 = arith.constant 0 : i32
        %dma_wait3A_207 = tpu.memref_slice %arg6[%mul3A_197, %dma_wait3A_206] : memref<10000x128xf32, #tpu.memory_space<hbm>> -> memref<80x128xf32, #tpu.memory_space<hbm>>
        tpu.wait_dma2 semaphore(%run_scoped3A : memref<!tpu.dma_semaphore, #tpu.memory_space<semaphore_mem>>) src(%dma_wait3A_207 : memref<80x128xf32, #tpu.memory_space<hbm>>) dst(%dma_wait3A_205 : memref<80x128xf32, #tpu.memory_space<vmem_shared>>)
        tpu.yield
      }) : () -> ()
    } else {
    }
    %add3A_26 = arith.constant 64 : i32
    %add3A_27 = arith.addi %arg1, %add3A_26 : i32
    %lt3A_28 = arith.constant 125 : i32
    %lt3A_29 = arith.cmpi slt, %add3A_27, %lt3A_28 : i32
    %convert_element_type3A_30 = arith.extui %lt3A_29 : i1 to i32
    %cond3A_31 = arith.constant 0 : i32
    %cond3A_32 = arith.cmpi ne, %convert_element_type3A_30, %cond3A_31 : i32
    scf.if %cond3A_32 {
      %mul3A_196 = arith.constant 80 : i32
      %mul3A_197 = arith.muli %add3A_27, %mul3A_196 : i32
      %mul3A_198 = arith.constant 80 : i32
      %mul3A_199 = arith.muli %add3A_27, %mul3A_198 : i32
      "tpu.region"() ({
        %run_scoped3A = tpu.sem_alloc : memref<!tpu.dma_semaphore, #tpu.memory_space<semaphore_mem>>
        %dma_start3A_200 = arith.constant 0 : i32
        %dma_start3A_201 = tpu.memref_slice %arg16[%mul3A_199, %dma_start3A_200] : memref<10000x128xf32, #tpu.memory_space<vmem_shared>> -> memref<80x128xf32, #tpu.memory_space<vmem_shared>>
        %dma_start3A_202 = arith.constant 0 : i32
        %dma_start3A_203 = tpu.memref_slice %arg6[%mul3A_197, %dma_start3A_202] : memref<10000x128xf32, #tpu.memory_space<hbm>> -> memref<80x128xf32, #tpu.memory_space<hbm>>
        tpu.enqueue_dma source(%dma_start3A_203 : memref<80x128xf32, #tpu.memory_space<hbm>>) target(%dma_start3A_201 : memref<80x128xf32, #tpu.memory_space<vmem_shared>>) target_semaphore(%run_scoped3A : memref<!tpu.dma_semaphore, #tpu.memory_space<semaphore_mem>>)
        %dma_wait3A_204 = arith.constant 0 : i32
        %dma_wait3A_205 = tpu.memref_slice %arg16[%mul3A_199, %dma_wait3A_204] : memref<10000x128xf32, #tpu.memory_space<vmem_shared>> -> memref<80x128xf32, #tpu.memory_space<vmem_shared>>
        %dma_wait3A_206 = arith.constant 0 : i32
        %dma_wait3A_207 = tpu.memref_slice %arg6[%mul3A_197, %dma_wait3A_206] : memref<10000x128xf32, #tpu.memory_space<hbm>> -> memref<80x128xf32, #tpu.memory_space<hbm>>
        tpu.wait_dma2 semaphore(%run_scoped3A : memref<!tpu.dma_semaphore, #tpu.memory_space<semaphore_mem>>) src(%dma_wait3A_207 : memref<80x128xf32, #tpu.memory_space<hbm>>) dst(%dma_wait3A_205 : memref<80x128xf32, #tpu.memory_space<vmem_shared>>)
        tpu.yield
      }) : () -> ()
    } else {
    }
    %add3A_33 = arith.constant 80 : i32
    %add3A_34 = arith.addi %arg1, %add3A_33 : i32
    %lt3A_35 = arith.constant 125 : i32
    %lt3A_36 = arith.cmpi slt, %add3A_34, %lt3A_35 : i32
    %convert_element_type3A_37 = arith.extui %lt3A_36 : i1 to i32
    %cond3A_38 = arith.constant 0 : i32
    %cond3A_39 = arith.cmpi ne, %convert_element_type3A_37, %cond3A_38 : i32
    scf.if %cond3A_39 {
      %mul3A_196 = arith.constant 80 : i32
      %mul3A_197 = arith.muli %add3A_34, %mul3A_196 : i32
      %mul3A_198 = arith.constant 80 : i32
      %mul3A_199 = arith.muli %add3A_34, %mul3A_198 : i32
      "tpu.region"() ({
        %run_scoped3A = tpu.sem_alloc : memref<!tpu.dma_semaphore, #tpu.memory_space<semaphore_mem>>
        %dma_start3A_200 = arith.constant 0 : i32
        %dma_start3A_201 = tpu.memref_slice %arg16[%mul3A_199, %dma_start3A_200] : memref<10000x128xf32, #tpu.memory_space<vmem_shared>> -> memref<80x128xf32, #tpu.memory_space<vmem_shared>>
        %dma_start3A_202 = arith.constant 0 : i32
        %dma_start3A_203 = tpu.memref_slice %arg6[%mul3A_197, %dma_start3A_202] : memref<10000x128xf32, #tpu.memory_space<hbm>> -> memref<80x128xf32, #tpu.memory_space<hbm>>
        tpu.enqueue_dma source(%dma_start3A_203 : memref<80x128xf32, #tpu.memory_space<hbm>>) target(%dma_start3A_201 : memref<80x128xf32, #tpu.memory_space<vmem_shared>>) target_semaphore(%run_scoped3A : memref<!tpu.dma_semaphore, #tpu.memory_space<semaphore_mem>>)
        %dma_wait3A_204 = arith.constant 0 : i32
        %dma_wait3A_205 = tpu.memref_slice %arg16[%mul3A_199, %dma_wait3A_204] : memref<10000x128xf32, #tpu.memory_space<vmem_shared>> -> memref<80x128xf32, #tpu.memory_space<vmem_shared>>
        %dma_wait3A_206 = arith.constant 0 : i32
        %dma_wait3A_207 = tpu.memref_slice %arg6[%mul3A_197, %dma_wait3A_206] : memref<10000x128xf32, #tpu.memory_space<hbm>> -> memref<80x128xf32, #tpu.memory_space<hbm>>
        tpu.wait_dma2 semaphore(%run_scoped3A : memref<!tpu.dma_semaphore, #tpu.memory_space<semaphore_mem>>) src(%dma_wait3A_207 : memref<80x128xf32, #tpu.memory_space<hbm>>) dst(%dma_wait3A_205 : memref<80x128xf32, #tpu.memory_space<vmem_shared>>)
        tpu.yield
      }) : () -> ()
    } else {
    }
    %add3A_40 = arith.constant 96 : i32
    %add3A_41 = arith.addi %arg1, %add3A_40 : i32
    %lt3A_42 = arith.constant 125 : i32
    %lt3A_43 = arith.cmpi slt, %add3A_41, %lt3A_42 : i32
    %convert_element_type3A_44 = arith.extui %lt3A_43 : i1 to i32
    %cond3A_45 = arith.constant 0 : i32
    %cond3A_46 = arith.cmpi ne, %convert_element_type3A_44, %cond3A_45 : i32
    scf.if %cond3A_46 {
      %mul3A_196 = arith.constant 80 : i32
      %mul3A_197 = arith.muli %add3A_41, %mul3A_196 : i32
      %mul3A_198 = arith.constant 80 : i32
      %mul3A_199 = arith.muli %add3A_41, %mul3A_198 : i32
      "tpu.region"() ({
        %run_scoped3A = tpu.sem_alloc : memref<!tpu.dma_semaphore, #tpu.memory_space<semaphore_mem>>
        %dma_start3A_200 = arith.constant 0 : i32
        %dma_start3A_201 = tpu.memref_slice %arg16[%mul3A_199, %dma_start3A_200] : memref<10000x128xf32, #tpu.memory_space<vmem_shared>> -> memref<80x128xf32, #tpu.memory_space<vmem_shared>>
        %dma_start3A_202 = arith.constant 0 : i32
        %dma_start3A_203 = tpu.memref_slice %arg6[%mul3A_197, %dma_start3A_202] : memref<10000x128xf32, #tpu.memory_space<hbm>> -> memref<80x128xf32, #tpu.memory_space<hbm>>
        tpu.enqueue_dma source(%dma_start3A_203 : memref<80x128xf32, #tpu.memory_space<hbm>>) target(%dma_start3A_201 : memref<80x128xf32, #tpu.memory_space<vmem_shared>>) target_semaphore(%run_scoped3A : memref<!tpu.dma_semaphore, #tpu.memory_space<semaphore_mem>>)
        %dma_wait3A_204 = arith.constant 0 : i32
        %dma_wait3A_205 = tpu.memref_slice %arg16[%mul3A_199, %dma_wait3A_204] : memref<10000x128xf32, #tpu.memory_space<vmem_shared>> -> memref<80x128xf32, #tpu.memory_space<vmem_shared>>
        %dma_wait3A_206 = arith.constant 0 : i32
        %dma_wait3A_207 = tpu.memref_slice %arg6[%mul3A_197, %dma_wait3A_206] : memref<10000x128xf32, #tpu.memory_space<hbm>> -> memref<80x128xf32, #tpu.memory_space<hbm>>
        tpu.wait_dma2 semaphore(%run_scoped3A : memref<!tpu.dma_semaphore, #tpu.memory_space<semaphore_mem>>) src(%dma_wait3A_207 : memref<80x128xf32, #tpu.memory_space<hbm>>) dst(%dma_wait3A_205 : memref<80x128xf32, #tpu.memory_space<vmem_shared>>)
        tpu.yield
      }) : () -> ()
    } else {
    }
    %add3A_47 = arith.constant 112 : i32
    %add3A_48 = arith.addi %arg1, %add3A_47 : i32
    %lt3A_49 = arith.constant 125 : i32
    %lt3A_50 = arith.cmpi slt, %add3A_48, %lt3A_49 : i32
    %convert_element_type3A_51 = arith.extui %lt3A_50 : i1 to i32
    %cond3A_52 = arith.constant 0 : i32
    %cond3A_53 = arith.cmpi ne, %convert_element_type3A_51, %cond3A_52 : i32
    scf.if %cond3A_53 {
      %mul3A_196 = arith.constant 80 : i32
      %mul3A_197 = arith.muli %add3A_48, %mul3A_196 : i32
      %mul3A_198 = arith.constant 80 : i32
      %mul3A_199 = arith.muli %add3A_48, %mul3A_198 : i32
      "tpu.region"() ({
        %run_scoped3A = tpu.sem_alloc : memref<!tpu.dma_semaphore, #tpu.memory_space<semaphore_mem>>
        %dma_start3A_200 = arith.constant 0 : i32
        %dma_start3A_201 = tpu.memref_slice %arg16[%mul3A_199, %dma_start3A_200] : memref<10000x128xf32, #tpu.memory_space<vmem_shared>> -> memref<80x128xf32, #tpu.memory_space<vmem_shared>>
        %dma_start3A_202 = arith.constant 0 : i32
        %dma_start3A_203 = tpu.memref_slice %arg6[%mul3A_197, %dma_start3A_202] : memref<10000x128xf32, #tpu.memory_space<hbm>> -> memref<80x128xf32, #tpu.memory_space<hbm>>
        tpu.enqueue_dma source(%dma_start3A_203 : memref<80x128xf32, #tpu.memory_space<hbm>>) target(%dma_start3A_201 : memref<80x128xf32, #tpu.memory_space<vmem_shared>>) target_semaphore(%run_scoped3A : memref<!tpu.dma_semaphore, #tpu.memory_space<semaphore_mem>>)
        %dma_wait3A_204 = arith.constant 0 : i32
        %dma_wait3A_205 = tpu.memref_slice %arg16[%mul3A_199, %dma_wait3A_204] : memref<10000x128xf32, #tpu.memory_space<vmem_shared>> -> memref<80x128xf32, #tpu.memory_space<vmem_shared>>
        %dma_wait3A_206 = arith.constant 0 : i32
        %dma_wait3A_207 = tpu.memref_slice %arg6[%mul3A_197, %dma_wait3A_206] : memref<10000x128xf32, #tpu.memory_space<hbm>> -> memref<80x128xf32, #tpu.memory_space<hbm>>
        tpu.wait_dma2 semaphore(%run_scoped3A : memref<!tpu.dma_semaphore, #tpu.memory_space<semaphore_mem>>) src(%dma_wait3A_207 : memref<80x128xf32, #tpu.memory_space<hbm>>) dst(%dma_wait3A_205 : memref<80x128xf32, #tpu.memory_space<vmem_shared>>)
        tpu.yield
      }) : () -> ()
    } else {
    }
    %mul3A_54 = arith.constant 10000 : i32
    %mul3A_55 = arith.muli %add3A, %mul3A_54 : i32
    "tpu.region"() ({
      %run_scoped3A = tpu.sem_alloc : memref<!tpu.dma_semaphore, #tpu.memory_space<semaphore_mem>>
      %dma_start3A_196 = tpu.memref_slice %arg3[%mul3A_55] : memref<320000xi32, #tpu.memory_space<hbm>> -> memref<10000xi32, #tpu.memory_space<hbm>>
      %dma_start3A_197 = tpu.memref_slice %arg3[%mul3A_55] : memref<320000xi32, #tpu.memory_space<hbm>> -> memref<10000xi32, #tpu.memory_space<hbm>>
      tpu.enqueue_dma source(%dma_start3A_197 : memref<10000xi32, #tpu.memory_space<hbm>>) target(%arg8 : memref<10000xi32, #tpu.memory_space<vmem>>) target_semaphore(%run_scoped3A : memref<!tpu.dma_semaphore, #tpu.memory_space<semaphore_mem>>)
      %dma_wait3A_198 = tpu.memref_slice %arg3[%mul3A_55] : memref<320000xi32, #tpu.memory_space<hbm>> -> memref<10000xi32, #tpu.memory_space<hbm>>
      %dma_wait3A_199 = tpu.memref_slice %arg3[%mul3A_55] : memref<320000xi32, #tpu.memory_space<hbm>> -> memref<10000xi32, #tpu.memory_space<hbm>>
      tpu.wait_dma2 semaphore(%run_scoped3A : memref<!tpu.dma_semaphore, #tpu.memory_space<semaphore_mem>>) src(%dma_wait3A_199 : memref<10000xi32, #tpu.memory_space<hbm>>) dst(%arg8 : memref<10000xi32, #tpu.memory_space<vmem>>)
      tpu.yield
    }) : () -> ()
    "tpu.region"() ({
      %run_scoped3A = tpu.sem_alloc : memref<!tpu.dma_semaphore, #tpu.memory_space<semaphore_mem>>
      %dma_start3A_196 = tpu.memref_slice %arg5[%mul3A_55] : memref<320000xi32, #tpu.memory_space<hbm>> -> memref<10000xi32, #tpu.memory_space<hbm>>
      %dma_start3A_197 = tpu.memref_slice %arg5[%mul3A_55] : memref<320000xi32, #tpu.memory_space<hbm>> -> memref<10000xi32, #tpu.memory_space<hbm>>
      tpu.enqueue_dma source(%dma_start3A_197 : memref<10000xi32, #tpu.memory_space<hbm>>) target(%arg9 : memref<10000xi32, #tpu.memory_space<vmem>>) target_semaphore(%run_scoped3A : memref<!tpu.dma_semaphore, #tpu.memory_space<semaphore_mem>>)
      %dma_wait3A_198 = tpu.memref_slice %arg5[%mul3A_55] : memref<320000xi32, #tpu.memory_space<hbm>> -> memref<10000xi32, #tpu.memory_space<hbm>>
      %dma_wait3A_199 = tpu.memref_slice %arg5[%mul3A_55] : memref<320000xi32, #tpu.memory_space<hbm>> -> memref<10000xi32, #tpu.memory_space<hbm>>
      tpu.wait_dma2 semaphore(%run_scoped3A : memref<!tpu.dma_semaphore, #tpu.memory_space<semaphore_mem>>) src(%dma_wait3A_199 : memref<10000xi32, #tpu.memory_space<hbm>>) dst(%arg9 : memref<10000xi32, #tpu.memory_space<vmem>>)
      tpu.yield
    }) : () -> ()
    %barrier3A = arith.constant 0 : index
    tpu.barrier barrier_id(%barrier3A)
    %get3A = arith.constant 0 : index
    %get3A_56 = tpu.vector_load %arg8[%get3A] {strides = array<i32>} : memref<10000xi32, #tpu.memory_space<vmem>>, vector<16xi32>,
    %get3A_57 = vector.shape_cast %get3A_56 : vector<16xi32> to vector<16xi32>
    %get3A_58 = arith.constant 0 : index
    %get3A_59 = tpu.vector_load %arg9[%get3A_58] {strides = array<i32>} : memref<10000xi32, #tpu.memory_space<vmem>>, vector<16xi32>,
    %get3A_60 = vector.shape_cast %get3A_59 : vector<16xi32> to vector<16xi32>
    %mul3A_61 = arith.constant 10000 : i32
    %mul3A_62 = vector.broadcast %mul3A_61 : i32 to vector<16xi32>
    %mul3A_63 = arith.muli %get3A_60, %mul3A_62 : vector<16xi32>
    %add3A_64 = arith.addi %mul3A_63, %get3A_57 : vector<16xi32>
    %swap3A = arith.constant 0 : index
    %swap3A_65 = tpu.vector_load %arg10[%swap3A] {strides = array<i32>} : memref<80xi32, #tpu.memory_space<vmem>>, vector<16xi32>,
    %swap3A_66 = vector.shape_cast %swap3A_65 : vector<16xi32> to vector<16xi32>
    %swap3A_67 = vector.shape_cast %add3A_64 : vector<16xi32> to vector<16xi32>
    tpu.vector_store %arg10[%swap3A], %swap3A_67 {strides = array<i32>} : memref<80xi32, #tpu.memory_space<vmem>>, vector<16xi32>,
    %get3A_68 = arith.constant 16 : index
    %get3A_69 = tpu.vector_load %arg8[%get3A_68] {strides = array<i32>} : memref<10000xi32, #tpu.memory_space<vmem>>, vector<16xi32>,
    %get3A_70 = vector.shape_cast %get3A_69 : vector<16xi32> to vector<16xi32>
    %get3A_71 = arith.constant 16 : index
    %get3A_72 = tpu.vector_load %arg9[%get3A_71] {strides = array<i32>} : memref<10000xi32, #tpu.memory_space<vmem>>, vector<16xi32>,
    %get3A_73 = vector.shape_cast %get3A_72 : vector<16xi32> to vector<16xi32>
    %mul3A_74 = arith.constant 10000 : i32
    %mul3A_75 = vector.broadcast %mul3A_74 : i32 to vector<16xi32>
    %mul3A_76 = arith.muli %get3A_73, %mul3A_75 : vector<16xi32>
    %add3A_77 = arith.addi %mul3A_76, %get3A_70 : vector<16xi32>
    %swap3A_78 = arith.constant 16 : index
    %swap3A_79 = tpu.vector_load %arg10[%swap3A_78] {strides = array<i32>} : memref<80xi32, #tpu.memory_space<vmem>>, vector<16xi32>,
    %swap3A_80 = vector.shape_cast %swap3A_79 : vector<16xi32> to vector<16xi32>
    %swap3A_81 = vector.shape_cast %add3A_77 : vector<16xi32> to vector<16xi32>
    tpu.vector_store %arg10[%swap3A_78], %swap3A_81 {strides = array<i32>} : memref<80xi32, #tpu.memory_space<vmem>>, vector<16xi32>,
    %get3A_82 = arith.constant 32 : index
    %get3A_83 = tpu.vector_load %arg8[%get3A_82] {strides = array<i32>} : memref<10000xi32, #tpu.memory_space<vmem>>, vector<16xi32>,
    %get3A_84 = vector.shape_cast %get3A_83 : vector<16xi32> to vector<16xi32>
    %get3A_85 = arith.constant 32 : index
    %get3A_86 = tpu.vector_load %arg9[%get3A_85] {strides = array<i32>} : memref<10000xi32, #tpu.memory_space<vmem>>, vector<16xi32>,
    %get3A_87 = vector.shape_cast %get3A_86 : vector<16xi32> to vector<16xi32>
    %mul3A_88 = arith.constant 10000 : i32
    %mul3A_89 = vector.broadcast %mul3A_88 : i32 to vector<16xi32>
    %mul3A_90 = arith.muli %get3A_87, %mul3A_89 : vector<16xi32>
    %add3A_91 = arith.addi %mul3A_90, %get3A_84 : vector<16xi32>
    %swap3A_92 = arith.constant 32 : index
    %swap3A_93 = tpu.vector_load %arg10[%swap3A_92] {strides = array<i32>} : memref<80xi32, #tpu.memory_space<vmem>>, vector<16xi32>,
    %swap3A_94 = vector.shape_cast %swap3A_93 : vector<16xi32> to vector<16xi32>
    %swap3A_95 = vector.shape_cast %add3A_91 : vector<16xi32> to vector<16xi32>
    tpu.vector_store %arg10[%swap3A_92], %swap3A_95 {strides = array<i32>} : memref<80xi32, #tpu.memory_space<vmem>>, vector<16xi32>,
    %get3A_96 = arith.constant 48 : index
    %get3A_97 = tpu.vector_load %arg8[%get3A_96] {strides = array<i32>} : memref<10000xi32, #tpu.memory_space<vmem>>, vector<16xi32>,
    %get3A_98 = vector.shape_cast %get3A_97 : vector<16xi32> to vector<16xi32>
    %get3A_99 = arith.constant 48 : index
    %get3A_100 = tpu.vector_load %arg9[%get3A_99] {strides = array<i32>} : memref<10000xi32, #tpu.memory_space<vmem>>, vector<16xi32>,
    %get3A_101 = vector.shape_cast %get3A_100 : vector<16xi32> to vector<16xi32>
    %mul3A_102 = arith.constant 10000 : i32
    %mul3A_103 = vector.broadcast %mul3A_102 : i32 to vector<16xi32>
    %mul3A_104 = arith.muli %get3A_101, %mul3A_103 : vector<16xi32>
    %add3A_105 = arith.addi %mul3A_104, %get3A_98 : vector<16xi32>
    %swap3A_106 = arith.constant 48 : index
    %swap3A_107 = tpu.vector_load %arg10[%swap3A_106] {strides = array<i32>} : memref<80xi32, #tpu.memory_space<vmem>>, vector<16xi32>,
    %swap3A_108 = vector.shape_cast %swap3A_107 : vector<16xi32> to vector<16xi32>
    %swap3A_109 = vector.shape_cast %add3A_105 : vector<16xi32> to vector<16xi32>
    tpu.vector_store %arg10[%swap3A_106], %swap3A_109 {strides = array<i32>} : memref<80xi32, #tpu.memory_space<vmem>>, vector<16xi32>,
    %get3A_110 = arith.constant 64 : index
    %get3A_111 = tpu.vector_load %arg8[%get3A_110] {strides = array<i32>} : memref<10000xi32, #tpu.memory_space<vmem>>, vector<16xi32>,
    %get3A_112 = vector.shape_cast %get3A_111 : vector<16xi32> to vector<16xi32>
    %get3A_113 = arith.constant 64 : index
    %get3A_114 = tpu.vector_load %arg9[%get3A_113] {strides = array<i32>} : memref<10000xi32, #tpu.memory_space<vmem>>, vector<16xi32>,
    %get3A_115 = vector.shape_cast %get3A_114 : vector<16xi32> to vector<16xi32>
    %mul3A_116 = arith.constant 10000 : i32
    %mul3A_117 = vector.broadcast %mul3A_116 : i32 to vector<16xi32>
    %mul3A_118 = arith.muli %get3A_115, %mul3A_117 : vector<16xi32>
    %add3A_119 = arith.addi %mul3A_118, %get3A_112 : vector<16xi32>
    %swap3A_120 = arith.constant 64 : index
    %swap3A_121 = tpu.vector_load %arg10[%swap3A_120] {strides = array<i32>} : memref<80xi32, #tpu.memory_space<vmem>>, vector<16xi32>,
    %swap3A_122 = vector.shape_cast %swap3A_121 : vector<16xi32> to vector<16xi32>
    %swap3A_123 = vector.shape_cast %add3A_119 : vector<16xi32> to vector<16xi32>
    tpu.vector_store %arg10[%swap3A_120], %swap3A_123 {strides = array<i32>} : memref<80xi32, #tpu.memory_space<vmem>>, vector<16xi32>,
    %dma_start3A = arith.constant 0 : i32
    %dma_start3A_124 = arith.constant 0 : i32
    %dma_start3A_125 = tpu.memref_slice %arg2[%dma_start3A, %dma_start3A_124] : memref<270000x128xf32, #tpu.memory_space<hbm>> -> memref<270000x128xf32, #tpu.memory_space<hbm>>
    tpu.enqueue_indirect_dma source(%dma_start3A_125 : memref<270000x128xf32, #tpu.memory_space<hbm>>) target(%arg14 : memref<80x128xf32, #tpu.memory_space<vmem>>) offsets(%arg10 : memref<80xi32, #tpu.memory_space<vmem>>) semaphore(%arg17 : memref<!tpu.dma_semaphore, #tpu.memory_space<semaphore_mem>>)
    %add3A_126 = arith.constant 0 : i32
    %add3A_127 = arith.addi %mul3A_55, %add3A_126 : i32
    %dma_start3A_128 = tpu.memref_slice %arg4[%add3A_127] : memref<320000xi32, #tpu.memory_space<hbm>> -> memref<80xi32, #tpu.memory_space<hbm>>
    %dma_start3A_129 = tpu.memref_slice %arg4[%add3A_127] : memref<320000xi32, #tpu.memory_space<hbm>> -> memref<80xi32, #tpu.memory_space<hbm>>
    tpu.enqueue_dma source(%dma_start3A_129 : memref<80xi32, #tpu.memory_space<hbm>>) target(%arg12 : memref<80xi32, #tpu.memory_space<vmem>>) target_semaphore(%arg19 : memref<!tpu.dma_semaphore, #tpu.memory_space<semaphore_mem>>)
    %scan3A = arith.constant 0 : i32
    %scan3A_130 = arith.constant 0 : i32
    %scan3A_131 = arith.constant 62 : i32
    %scan3A_132 = arith.addi %scan3A_130, %scan3A_131 : i32
    %scan3A_133 = arith.constant 1 : i32
    scf.for %scan3A_196 = %scan3A_130 to %scan3A_132 step %scan3A_133  : i32 {
      %mul3A_197 = arith.constant 2 : i32
      %mul3A_198 = arith.muli %mul3A_197, %scan3A_196 : i32
      %add3A_199 = arith.constant 1 : i32
      %add3A_200 = arith.addi %mul3A_198, %add3A_199 : i32
      %mul3A_201 = arith.constant 80 : i32
      %mul3A_202 = arith.muli %add3A_200, %mul3A_201 : i32
      %add3A_203 = arith.constant 0 : i32
      %add3A_204 = arith.addi %mul3A_202, %add3A_203 : i32
      %get3A_205 = arith.index_cast %add3A_204 : i32 to index
      %get3A_206 = tpu.vector_load %arg8[%get3A_205] {strides = array<i32>} : memref<10000xi32, #tpu.memory_space<vmem>>, vector<16xi32>,
      %get3A_207 = vector.shape_cast %get3A_206 : vector<16xi32> to vector<16xi32>
      %get3A_208 = arith.index_cast %add3A_204 : i32 to index
      %get3A_209 = tpu.vector_load %arg9[%get3A_208] {strides = array<i32>} : memref<10000xi32, #tpu.memory_space<vmem>>, vector<16xi32>,
      %get3A_210 = vector.shape_cast %get3A_209 : vector<16xi32> to vector<16xi32>
      %mul3A_211 = arith.constant 10000 : i32
      %mul3A_212 = vector.broadcast %mul3A_211 : i32 to vector<16xi32>
      %mul3A_213 = arith.muli %get3A_210, %mul3A_212 : vector<16xi32>
      %add3A_214 = arith.addi %mul3A_213, %get3A_207 : vector<16xi32>
      %swap3A_215 = arith.constant 0 : index
      %swap3A_216 = tpu.vector_load %arg11[%swap3A_215] {strides = array<i32>} : memref<80xi32, #tpu.memory_space<vmem>>, vector<16xi32>,
      %swap3A_217 = vector.shape_cast %swap3A_216 : vector<16xi32> to vector<16xi32>
      %swap3A_218 = vector.shape_cast %add3A_214 : vector<16xi32> to vector<16xi32>
      tpu.vector_store %arg11[%swap3A_215], %swap3A_218 {strides = array<i32>} : memref<80xi32, #tpu.memory_space<vmem>>, vector<16xi32>,
      %add3A_219 = arith.constant 16 : i32
      %add3A_220 = arith.addi %mul3A_202, %add3A_219 : i32
      %get3A_221 = arith.index_cast %add3A_220 : i32 to index
      %get3A_222 = tpu.vector_load %arg8[%get3A_221] {strides = array<i32>} : memref<10000xi32, #tpu.memory_space<vmem>>, vector<16xi32>,
      %get3A_223 = vector.shape_cast %get3A_222 : vector<16xi32> to vector<16xi32>
      %get3A_224 = arith.index_cast %add3A_220 : i32 to index
      %get3A_225 = tpu.vector_load %arg9[%get3A_224] {strides = array<i32>} : memref<10000xi32, #tpu.memory_space<vmem>>, vector<16xi32>,
      %get3A_226 = vector.shape_cast %get3A_225 : vector<16xi32> to vector<16xi32>
      %mul3A_227 = arith.constant 10000 : i32
      %mul3A_228 = vector.broadcast %mul3A_227 : i32 to vector<16xi32>
      %mul3A_229 = arith.muli %get3A_226, %mul3A_228 : vector<16xi32>
      %add3A_230 = arith.addi %mul3A_229, %get3A_223 : vector<16xi32>
      %swap3A_231 = arith.constant 16 : index
      %swap3A_232 = tpu.vector_load %arg11[%swap3A_231] {strides = array<i32>} : memref<80xi32, #tpu.memory_space<vmem>>, vector<16xi32>,
      %swap3A_233 = vector.shape_cast %swap3A_232 : vector<16xi32> to vector<16xi32>
      %swap3A_234 = vector.shape_cast %add3A_230 : vector<16xi32> to vector<16xi32>
      tpu.vector_store %arg11[%swap3A_231], %swap3A_234 {strides = array<i32>} : memref<80xi32, #tpu.memory_space<vmem>>, vector<16xi32>,
      %add3A_235 = arith.constant 32 : i32
      %add3A_236 = arith.addi %mul3A_202, %add3A_235 : i32
      %get3A_237 = arith.index_cast %add3A_236 : i32 to index
      %get3A_238 = tpu.vector_load %arg8[%get3A_237] {strides = array<i32>} : memref<10000xi32, #tpu.memory_space<vmem>>, vector<16xi32>,
      %get3A_239 = vector.shape_cast %get3A_238 : vector<16xi32> to vector<16xi32>
      %get3A_240 = arith.index_cast %add3A_236 : i32 to index
      %get3A_241 = tpu.vector_load %arg9[%get3A_240] {strides = array<i32>} : memref<10000xi32, #tpu.memory_space<vmem>>, vector<16xi32>,
      %get3A_242 = vector.shape_cast %get3A_241 : vector<16xi32> to vector<16xi32>
      %mul3A_243 = arith.constant 10000 : i32
      %mul3A_244 = vector.broadcast %mul3A_243 : i32 to vector<16xi32>
      %mul3A_245 = arith.muli %get3A_242, %mul3A_244 : vector<16xi32>
      %add3A_246 = arith.addi %mul3A_245, %get3A_239 : vector<16xi32>
      %swap3A_247 = arith.constant 32 : index
      %swap3A_248 = tpu.vector_load %arg11[%swap3A_247] {strides = array<i32>} : memref<80xi32, #tpu.memory_space<vmem>>, vector<16xi32>,
      %swap3A_249 = vector.shape_cast %swap3A_248 : vector<16xi32> to vector<16xi32>
      %swap3A_250 = vector.shape_cast %add3A_246 : vector<16xi32> to vector<16xi32>
      tpu.vector_store %arg11[%swap3A_247], %swap3A_250 {strides = array<i32>} : memref<80xi32, #tpu.memory_space<vmem>>, vector<16xi32>,
      %add3A_251 = arith.constant 48 : i32
      %add3A_252 = arith.addi %mul3A_202, %add3A_251 : i32
      %get3A_253 = arith.index_cast %add3A_252 : i32 to index
      %get3A_254 = tpu.vector_load %arg8[%get3A_253] {strides = array<i32>} : memref<10000xi32, #tpu.memory_space<vmem>>, vector<16xi32>,
      %get3A_255 = vector.shape_cast %get3A_254 : vector<16xi32> to vector<16xi32>
      %get3A_256 = arith.index_cast %add3A_252 : i32 to index
      %get3A_257 = tpu.vector_load %arg9[%get3A_256] {strides = array<i32>} : memref<10000xi32, #tpu.memory_space<vmem>>, vector<16xi32>,
      %get3A_258 = vector.shape_cast %get3A_257 : vector<16xi32> to vector<16xi32>
      %mul3A_259 = arith.constant 10000 : i32
      %mul3A_260 = vector.broadcast %mul3A_259 : i32 to vector<16xi32>
      %mul3A_261 = arith.muli %get3A_258, %mul3A_260 : vector<16xi32>
      %add3A_262 = arith.addi %mul3A_261, %get3A_255 : vector<16xi32>
      %swap3A_263 = arith.constant 48 : index
      %swap3A_264 = tpu.vector_load %arg11[%swap3A_263] {strides = array<i32>} : memref<80xi32, #tpu.memory_space<vmem>>, vector<16xi32>,
      %swap3A_265 = vector.shape_cast %swap3A_264 : vector<16xi32> to vector<16xi32>
      %swap3A_266 = vector.shape_cast %add3A_262 : vector<16xi32> to vector<16xi32>
      tpu.vector_store %arg11[%swap3A_263], %swap3A_266 {strides = array<i32>} : memref<80xi32, #tpu.memory_space<vmem>>, vector<16xi32>,
      %add3A_267 = arith.constant 64 : i32
      %add3A_268 = arith.addi %mul3A_202, %add3A_267 : i32
      %get3A_269 = arith.index_cast %add3A_268 : i32 to index
      %get3A_270 = tpu.vector_load %arg8[%get3A_269] {strides = array<i32>} : memref<10000xi32, #tpu.memory_space<vmem>>, vector<16xi32>,
      %get3A_271 = vector.shape_cast %get3A_270 : vector<16xi32> to vector<16xi32>
      %get3A_272 = arith.index_cast %add3A_268 : i32 to index
      %get3A_273 = tpu.vector_load %arg9[%get3A_272] {strides = array<i32>} : memref<10000xi32, #tpu.memory_space<vmem>>, vector<16xi32>,
      %get3A_274 = vector.shape_cast %get3A_273 : vector<16xi32> to vector<16xi32>
      %mul3A_275 = arith.constant 10000 : i32
      %mul3A_276 = vector.broadcast %mul3A_275 : i32 to vector<16xi32>
      %mul3A_277 = arith.muli %get3A_274, %mul3A_276 : vector<16xi32>
      %add3A_278 = arith.addi %mul3A_277, %get3A_271 : vector<16xi32>
      %swap3A_279 = arith.constant 64 : index
      %swap3A_280 = tpu.vector_load %arg11[%swap3A_279] {strides = array<i32>} : memref<80xi32, #tpu.memory_space<vmem>>, vector<16xi32>,
      %swap3A_281 = vector.shape_cast %swap3A_280 : vector<16xi32> to vector<16xi32>
      %swap3A_282 = vector.shape_cast %add3A_278 : vector<16xi32> to vector<16xi32>
      tpu.vector_store %arg11[%swap3A_279], %swap3A_282 {strides = array<i32>} : memref<80xi32, #tpu.memory_space<vmem>>, vector<16xi32>,
      %dma_start3A_283 = arith.constant 0 : i32
      %dma_start3A_284 = arith.constant 0 : i32
      %dma_start3A_285 = tpu.memref_slice %arg2[%dma_start3A_283, %dma_start3A_284] : memref<270000x128xf32, #tpu.memory_space<hbm>> -> memref<270000x128xf32, #tpu.memory_space<hbm>>
      tpu.enqueue_indirect_dma source(%dma_start3A_285 : memref<270000x128xf32, #tpu.memory_space<hbm>>) target(%arg15 : memref<80x128xf32, #tpu.memory_space<vmem>>) offsets(%arg11 : memref<80xi32, #tpu.memory_space<vmem>>) semaphore(%arg18 : memref<!tpu.dma_semaphore, #tpu.memory_space<semaphore_mem>>)
      %add3A_286 = arith.constant 1 : i32
      %add3A_287 = arith.addi %mul3A_198, %add3A_286 : i32
      %mul3A_288 = arith.constant 80 : i32
      %mul3A_289 = arith.muli %add3A_287, %mul3A_288 : i32
      %add3A_290 = arith.addi %mul3A_55, %mul3A_289 : i32
      %dma_start3A_291 = tpu.memref_slice %arg4[%add3A_290] : memref<320000xi32, #tpu.memory_space<hbm>> -> memref<80xi32, #tpu.memory_space<hbm>>
      %dma_start3A_292 = tpu.memref_slice %arg4[%add3A_290] : memref<320000xi32, #tpu.memory_space<hbm>> -> memref<80xi32, #tpu.memory_space<hbm>>
      tpu.enqueue_dma source(%dma_start3A_292 : memref<80xi32, #tpu.memory_space<hbm>>) target(%arg13 : memref<80xi32, #tpu.memory_space<vmem>>) target_semaphore(%arg20 : memref<!tpu.dma_semaphore, #tpu.memory_space<semaphore_mem>>)
      %dma_wait3A_293 = arith.constant 0 : i32
      %dma_wait3A_294 = arith.constant 0 : i32
      %dma_wait3A_295 = tpu.memref_slice %arg2[%dma_wait3A_293, %dma_wait3A_294] : memref<270000x128xf32, #tpu.memory_space<hbm>> -> memref<270000x128xf32, #tpu.memory_space<hbm>>
      tpu.wait_indirect_dma semaphore(%arg17 : memref<!tpu.dma_semaphore, #tpu.memory_space<semaphore_mem>>) src(%dma_wait3A_295 : memref<270000x128xf32, #tpu.memory_space<hbm>>) dst(%arg14 : memref<80x128xf32, #tpu.memory_space<vmem>>)
      %dma_wait3A_296 = tpu.memref_slice %arg4[%mul3A_55] : memref<320000xi32, #tpu.memory_space<hbm>> -> memref<80xi32, #tpu.memory_space<hbm>>
      %dma_wait3A_297 = tpu.memref_slice %arg4[%mul3A_55] : memref<320000xi32, #tpu.memory_space<hbm>> -> memref<80xi32, #tpu.memory_space<hbm>>
      tpu.wait_dma2 semaphore(%arg19 : memref<!tpu.dma_semaphore, #tpu.memory_space<semaphore_mem>>) src(%dma_wait3A_297 : memref<80xi32, #tpu.memory_space<hbm>>) dst(%arg12 : memref<80xi32, #tpu.memory_space<vmem>>)
      "tpu.region"() ({
        %run_scoped3A = tpu.sem_alloc : memref<!tpu.dma_semaphore, #tpu.memory_space<semaphore_mem>>
        %dma_start3A_397 = arith.constant 0 : i32
        %dma_start3A_398 = arith.constant 0 : i32
        %dma_start3A_399 = tpu.memref_slice %arg16[%dma_start3A_397, %dma_start3A_398] : memref<10000x128xf32, #tpu.memory_space<vmem_shared>> -> memref<10000x128xf32, #tpu.memory_space<vmem_shared>>
        tpu.enqueue_indirect_dma source(%arg14 : memref<80x128xf32, #tpu.memory_space<vmem>>) target(%dma_start3A_399 : memref<10000x128xf32, #tpu.memory_space<vmem_shared>>) offsets(%arg12 : memref<80xi32, #tpu.memory_space<vmem>>) semaphore(%run_scoped3A : memref<!tpu.dma_semaphore, #tpu.memory_space<semaphore_mem>>) {add = true}
        %dma_wait3A_400 = arith.constant 0 : i32
        %dma_wait3A_401 = arith.constant 0 : i32
        %dma_wait3A_402 = tpu.memref_slice %arg16[%dma_wait3A_400, %dma_wait3A_401] : memref<10000x128xf32, #tpu.memory_space<vmem_shared>> -> memref<10000x128xf32, #tpu.memory_space<vmem_shared>>
        tpu.wait_indirect_dma semaphore(%run_scoped3A : memref<!tpu.dma_semaphore, #tpu.memory_space<semaphore_mem>>) src(%arg14 : memref<80x128xf32, #tpu.memory_space<vmem>>) dst(%dma_wait3A_402 : memref<10000x128xf32, #tpu.memory_space<vmem_shared>>)
        tpu.yield
      }) : () -> ()
      %add3A_298 = arith.constant 2 : i32
      %add3A_299 = arith.addi %mul3A_198, %add3A_298 : i32
      %mul3A_300 = arith.constant 80 : i32
      %mul3A_301 = arith.muli %add3A_299, %mul3A_300 : i32
      %add3A_302 = arith.constant 0 : i32
      %add3A_303 = arith.addi %mul3A_301, %add3A_302 : i32
      %get3A_304 = arith.index_cast %add3A_303 : i32 to index
      %get3A_305 = tpu.vector_load %arg8[%get3A_304] {strides = array<i32>} : memref<10000xi32, #tpu.memory_space<vmem>>, vector<16xi32>,
      %get3A_306 = vector.shape_cast %get3A_305 : vector<16xi32> to vector<16xi32>
      %get3A_307 = arith.index_cast %add3A_303 : i32 to index
      %get3A_308 = tpu.vector_load %arg9[%get3A_307] {strides = array<i32>} : memref<10000xi32, #tpu.memory_space<vmem>>, vector<16xi32>,
      %get3A_309 = vector.shape_cast %get3A_308 : vector<16xi32> to vector<16xi32>
      %mul3A_310 = arith.constant 10000 : i32
      %mul3A_311 = vector.broadcast %mul3A_310 : i32 to vector<16xi32>
      %mul3A_312 = arith.muli %get3A_309, %mul3A_311 : vector<16xi32>
      %add3A_313 = arith.addi %mul3A_312, %get3A_306 : vector<16xi32>
      %swap3A_314 = arith.constant 0 : index
      %swap3A_315 = tpu.vector_load %arg10[%swap3A_314] {strides = array<i32>} : memref<80xi32, #tpu.memory_space<vmem>>, vector<16xi32>,
      %swap3A_316 = vector.shape_cast %swap3A_315 : vector<16xi32> to vector<16xi32>
      %swap3A_317 = vector.shape_cast %add3A_313 : vector<16xi32> to vector<16xi32>
      tpu.vector_store %arg10[%swap3A_314], %swap3A_317 {strides = array<i32>} : memref<80xi32, #tpu.memory_space<vmem>>, vector<16xi32>,
      %add3A_318 = arith.constant 16 : i32
      %add3A_319 = arith.addi %mul3A_301, %add3A_318 : i32
      %get3A_320 = arith.index_cast %add3A_319 : i32 to index
      %get3A_321 = tpu.vector_load %arg8[%get3A_320] {strides = array<i32>} : memref<10000xi32, #tpu.memory_space<vmem>>, vector<16xi32>,
      %get3A_322 = vector.shape_cast %get3A_321 : vector<16xi32> to vector<16xi32>
      %get3A_323 = arith.index_cast %add3A_319 : i32 to index
      %get3A_324 = tpu.vector_load %arg9[%get3A_323] {strides = array<i32>} : memref<10000xi32, #tpu.memory_space<vmem>>, vector<16xi32>,
      %get3A_325 = vector.shape_cast %get3A_324 : vector<16xi32> to vector<16xi32>
      %mul3A_326 = arith.constant 10000 : i32
      %mul3A_327 = vector.broadcast %mul3A_326 : i32 to vector<16xi32>
      %mul3A_328 = arith.muli %get3A_325, %mul3A_327 : vector<16xi32>
      %add3A_329 = arith.addi %mul3A_328, %get3A_322 : vector<16xi32>
      %swap3A_330 = arith.constant 16 : index
      %swap3A_331 = tpu.vector_load %arg10[%swap3A_330] {strides = array<i32>} : memref<80xi32, #tpu.memory_space<vmem>>, vector<16xi32>,
      %swap3A_332 = vector.shape_cast %swap3A_331 : vector<16xi32> to vector<16xi32>
      %swap3A_333 = vector.shape_cast %add3A_329 : vector<16xi32> to vector<16xi32>
      tpu.vector_store %arg10[%swap3A_330], %swap3A_333 {strides = array<i32>} : memref<80xi32, #tpu.memory_space<vmem>>, vector<16xi32>,
      %add3A_334 = arith.constant 32 : i32
      %add3A_335 = arith.addi %mul3A_301, %add3A_334 : i32
      %get3A_336 = arith.index_cast %add3A_335 : i32 to index
      %get3A_337 = tpu.vector_load %arg8[%get3A_336] {strides = array<i32>} : memref<10000xi32, #tpu.memory_space<vmem>>, vector<16xi32>,
      %get3A_338 = vector.shape_cast %get3A_337 : vector<16xi32> to vector<16xi32>
      %get3A_339 = arith.index_cast %add3A_335 : i32 to index
      %get3A_340 = tpu.vector_load %arg9[%get3A_339] {strides = array<i32>} : memref<10000xi32, #tpu.memory_space<vmem>>, vector<16xi32>,
      %get3A_341 = vector.shape_cast %get3A_340 : vector<16xi32> to vector<16xi32>
      %mul3A_342 = arith.constant 10000 : i32
      %mul3A_343 = vector.broadcast %mul3A_342 : i32 to vector<16xi32>
      %mul3A_344 = arith.muli %get3A_341, %mul3A_343 : vector<16xi32>
      %add3A_345 = arith.addi %mul3A_344, %get3A_338 : vector<16xi32>
      %swap3A_346 = arith.constant 32 : index
      %swap3A_347 = tpu.vector_load %arg10[%swap3A_346] {strides = array<i32>} : memref<80xi32, #tpu.memory_space<vmem>>, vector<16xi32>,
      %swap3A_348 = vector.shape_cast %swap3A_347 : vector<16xi32> to vector<16xi32>
      %swap3A_349 = vector.shape_cast %add3A_345 : vector<16xi32> to vector<16xi32>
      tpu.vector_store %arg10[%swap3A_346], %swap3A_349 {strides = array<i32>} : memref<80xi32, #tpu.memory_space<vmem>>, vector<16xi32>,
      %add3A_350 = arith.constant 48 : i32
      %add3A_351 = arith.addi %mul3A_301, %add3A_350 : i32
      %get3A_352 = arith.index_cast %add3A_351 : i32 to index
      %get3A_353 = tpu.vector_load %arg8[%get3A_352] {strides = array<i32>} : memref<10000xi32, #tpu.memory_space<vmem>>, vector<16xi32>,
      %get3A_354 = vector.shape_cast %get3A_353 : vector<16xi32> to vector<16xi32>
      %get3A_355 = arith.index_cast %add3A_351 : i32 to index
      %get3A_356 = tpu.vector_load %arg9[%get3A_355] {strides = array<i32>} : memref<10000xi32, #tpu.memory_space<vmem>>, vector<16xi32>,
      %get3A_357 = vector.shape_cast %get3A_356 : vector<16xi32> to vector<16xi32>
      %mul3A_358 = arith.constant 10000 : i32
      %mul3A_359 = vector.broadcast %mul3A_358 : i32 to vector<16xi32>
      %mul3A_360 = arith.muli %get3A_357, %mul3A_359 : vector<16xi32>
      %add3A_361 = arith.addi %mul3A_360, %get3A_354 : vector<16xi32>
      %swap3A_362 = arith.constant 48 : index
      %swap3A_363 = tpu.vector_load %arg10[%swap3A_362] {strides = array<i32>} : memref<80xi32, #tpu.memory_space<vmem>>, vector<16xi32>,
      %swap3A_364 = vector.shape_cast %swap3A_363 : vector<16xi32> to vector<16xi32>
      %swap3A_365 = vector.shape_cast %add3A_361 : vector<16xi32> to vector<16xi32>
      tpu.vector_store %arg10[%swap3A_362], %swap3A_365 {strides = array<i32>} : memref<80xi32, #tpu.memory_space<vmem>>, vector<16xi32>,
      %add3A_366 = arith.constant 64 : i32
      %add3A_367 = arith.addi %mul3A_301, %add3A_366 : i32
      %get3A_368 = arith.index_cast %add3A_367 : i32 to index
      %get3A_369 = tpu.vector_load %arg8[%get3A_368] {strides = array<i32>} : memref<10000xi32, #tpu.memory_space<vmem>>, vector<16xi32>,
      %get3A_370 = vector.shape_cast %get3A_369 : vector<16xi32> to vector<16xi32>
      %get3A_371 = arith.index_cast %add3A_367 : i32 to index
      %get3A_372 = tpu.vector_load %arg9[%get3A_371] {strides = array<i32>} : memref<10000xi32, #tpu.memory_space<vmem>>, vector<16xi32>,
      %get3A_373 = vector.shape_cast %get3A_372 : vector<16xi32> to vector<16xi32>
      %mul3A_374 = arith.constant 10000 : i32
      %mul3A_375 = vector.broadcast %mul3A_374 : i32 to vector<16xi32>
      %mul3A_376 = arith.muli %get3A_373, %mul3A_375 : vector<16xi32>
      %add3A_377 = arith.addi %mul3A_376, %get3A_370 : vector<16xi32>
      %swap3A_378 = arith.constant 64 : index
      %swap3A_379 = tpu.vector_load %arg10[%swap3A_378] {strides = array<i32>} : memref<80xi32, #tpu.memory_space<vmem>>, vector<16xi32>,
      %swap3A_380 = vector.shape_cast %swap3A_379 : vector<16xi32> to vector<16xi32>
      %swap3A_381 = vector.shape_cast %add3A_377 : vector<16xi32> to vector<16xi32>
      tpu.vector_store %arg10[%swap3A_378], %swap3A_381 {strides = array<i32>} : memref<80xi32, #tpu.memory_space<vmem>>, vector<16xi32>,
      %dma_start3A_382 = arith.constant 0 : i32
      %dma_start3A_383 = arith.constant 0 : i32
      %dma_start3A_384 = tpu.memref_slice %arg2[%dma_start3A_382, %dma_start3A_383] : memref<270000x128xf32, #tpu.memory_space<hbm>> -> memref<270000x128xf32, #tpu.memory_space<hbm>>
      tpu.enqueue_indirect_dma source(%dma_start3A_384 : memref<270000x128xf32, #tpu.memory_space<hbm>>) target(%arg14 : memref<80x128xf32, #tpu.memory_space<vmem>>) offsets(%arg10 : memref<80xi32, #tpu.memory_space<vmem>>) semaphore(%arg17 : memref<!tpu.dma_semaphore, #tpu.memory_space<semaphore_mem>>)
      %add3A_385 = arith.constant 2 : i32
      %add3A_386 = arith.addi %mul3A_198, %add3A_385 : i32
      %mul3A_387 = arith.constant 80 : i32
      %mul3A_388 = arith.muli %add3A_386, %mul3A_387 : i32
      %add3A_389 = arith.addi %mul3A_55, %mul3A_388 : i32
      %dma_start3A_390 = tpu.memref_slice %arg4[%add3A_389] : memref<320000xi32, #tpu.memory_space<hbm>> -> memref<80xi32, #tpu.memory_space<hbm>>
      %dma_start3A_391 = tpu.memref_slice %arg4[%add3A_389] : memref<320000xi32, #tpu.memory_space<hbm>> -> memref<80xi32, #tpu.memory_space<hbm>>
      tpu.enqueue_dma source(%dma_start3A_391 : memref<80xi32, #tpu.memory_space<hbm>>) target(%arg12 : memref<80xi32, #tpu.memory_space<vmem>>) target_semaphore(%arg19 : memref<!tpu.dma_semaphore, #tpu.memory_space<semaphore_mem>>)
      %dma_wait3A_392 = arith.constant 0 : i32
      %dma_wait3A_393 = arith.constant 0 : i32
      %dma_wait3A_394 = tpu.memref_slice %arg2[%dma_wait3A_392, %dma_wait3A_393] : memref<270000x128xf32, #tpu.memory_space<hbm>> -> memref<270000x128xf32, #tpu.memory_space<hbm>>
      tpu.wait_indirect_dma semaphore(%arg18 : memref<!tpu.dma_semaphore, #tpu.memory_space<semaphore_mem>>) src(%dma_wait3A_394 : memref<270000x128xf32, #tpu.memory_space<hbm>>) dst(%arg15 : memref<80x128xf32, #tpu.memory_space<vmem>>)
      %dma_wait3A_395 = tpu.memref_slice %arg4[%mul3A_55] : memref<320000xi32, #tpu.memory_space<hbm>> -> memref<80xi32, #tpu.memory_space<hbm>>
      %dma_wait3A_396 = tpu.memref_slice %arg4[%mul3A_55] : memref<320000xi32, #tpu.memory_space<hbm>> -> memref<80xi32, #tpu.memory_space<hbm>>
      tpu.wait_dma2 semaphore(%arg20 : memref<!tpu.dma_semaphore, #tpu.memory_space<semaphore_mem>>) src(%dma_wait3A_396 : memref<80xi32, #tpu.memory_space<hbm>>) dst(%arg13 : memref<80xi32, #tpu.memory_space<vmem>>)
      "tpu.region"() ({
        %run_scoped3A = tpu.sem_alloc : memref<!tpu.dma_semaphore, #tpu.memory_space<semaphore_mem>>
        %dma_start3A_397 = arith.constant 0 : i32
        %dma_start3A_398 = arith.constant 0 : i32
        %dma_start3A_399 = tpu.memref_slice %arg16[%dma_start3A_397, %dma_start3A_398] : memref<10000x128xf32, #tpu.memory_space<vmem_shared>> -> memref<10000x128xf32, #tpu.memory_space<vmem_shared>>
        tpu.enqueue_indirect_dma source(%arg15 : memref<80x128xf32, #tpu.memory_space<vmem>>) target(%dma_start3A_399 : memref<10000x128xf32, #tpu.memory_space<vmem_shared>>) offsets(%arg13 : memref<80xi32, #tpu.memory_space<vmem>>) semaphore(%run_scoped3A : memref<!tpu.dma_semaphore, #tpu.memory_space<semaphore_mem>>) {add = true}
        %dma_wait3A_400 = arith.constant 0 : i32
        %dma_wait3A_401 = arith.constant 0 : i32
        %dma_wait3A_402 = tpu.memref_slice %arg16[%dma_wait3A_400, %dma_wait3A_401] : memref<10000x128xf32, #tpu.memory_space<vmem_shared>> -> memref<10000x128xf32, #tpu.memory_space<vmem_shared>>
        tpu.wait_indirect_dma semaphore(%run_scoped3A : memref<!tpu.dma_semaphore, #tpu.memory_space<semaphore_mem>>) src(%arg15 : memref<80x128xf32, #tpu.memory_space<vmem>>) dst(%dma_wait3A_402 : memref<10000x128xf32, #tpu.memory_space<vmem_shared>>)
        tpu.yield
      }) : () -> ()
    }
    %scan3A_134 = arith.constant 62 : i32
    %dma_wait3A = arith.constant 0 : i32
    %dma_wait3A_135 = arith.constant 0 : i32
    %dma_wait3A_136 = tpu.memref_slice %arg2[%dma_wait3A, %dma_wait3A_135] : memref<270000x128xf32, #tpu.memory_space<hbm>> -> memref<270000x128xf32, #tpu.memory_space<hbm>>
    tpu.wait_indirect_dma semaphore(%arg17 : memref<!tpu.dma_semaphore, #tpu.memory_space<semaphore_mem>>) src(%dma_wait3A_136 : memref<270000x128xf32, #tpu.memory_space<hbm>>) dst(%arg14 : memref<80x128xf32, #tpu.memory_space<vmem>>)
    %dma_wait3A_137 = tpu.memref_slice %arg4[%mul3A_55] : memref<320000xi32, #tpu.memory_space<hbm>> -> memref<80xi32, #tpu.memory_space<hbm>>
    %dma_wait3A_138 = tpu.memref_slice %arg4[%mul3A_55] : memref<320000xi32, #tpu.memory_space<hbm>> -> memref<80xi32, #tpu.memory_space<hbm>>
    tpu.wait_dma2 semaphore(%arg19 : memref<!tpu.dma_semaphore, #tpu.memory_space<semaphore_mem>>) src(%dma_wait3A_138 : memref<80xi32, #tpu.memory_space<hbm>>) dst(%arg12 : memref<80xi32, #tpu.memory_space<vmem>>)
    "tpu.region"() ({
      %run_scoped3A = tpu.sem_alloc : memref<!tpu.dma_semaphore, #tpu.memory_space<semaphore_mem>>
      %dma_start3A_196 = arith.constant 0 : i32
      %dma_start3A_197 = arith.constant 0 : i32
      %dma_start3A_198 = tpu.memref_slice %arg16[%dma_start3A_196, %dma_start3A_197] : memref<10000x128xf32, #tpu.memory_space<vmem_shared>> -> memref<10000x128xf32, #tpu.memory_space<vmem_shared>>
      tpu.enqueue_indirect_dma source(%arg14 : memref<80x128xf32, #tpu.memory_space<vmem>>) target(%dma_start3A_198 : memref<10000x128xf32, #tpu.memory_space<vmem_shared>>) offsets(%arg12 : memref<80xi32, #tpu.memory_space<vmem>>) semaphore(%run_scoped3A : memref<!tpu.dma_semaphore, #tpu.memory_space<semaphore_mem>>) {add = true}
      %dma_wait3A_199 = arith.constant 0 : i32
      %dma_wait3A_200 = arith.constant 0 : i32
      %dma_wait3A_201 = tpu.memref_slice %arg16[%dma_wait3A_199, %dma_wait3A_200] : memref<10000x128xf32, #tpu.memory_space<vmem_shared>> -> memref<10000x128xf32, #tpu.memory_space<vmem_shared>>
      tpu.wait_indirect_dma semaphore(%run_scoped3A : memref<!tpu.dma_semaphore, #tpu.memory_space<semaphore_mem>>) src(%arg14 : memref<80x128xf32, #tpu.memory_space<vmem>>) dst(%dma_wait3A_201 : memref<10000x128xf32, #tpu.memory_space<vmem_shared>>)
      tpu.yield
    }) : () -> ()
    %barrier3A_139 = arith.constant 0 : index
    tpu.barrier barrier_id(%barrier3A_139)
    %add3A_140 = arith.constant 0 : i32
    %add3A_141 = arith.addi %arg1, %add3A_140 : i32
    %lt3A_142 = arith.constant 125 : i32
    %lt3A_143 = arith.cmpi slt, %add3A_141, %lt3A_142 : i32
    %convert_element_type3A_144 = arith.extui %lt3A_143 : i1 to i32
    %cond3A_145 = arith.constant 0 : i32
    %cond3A_146 = arith.cmpi ne, %convert_element_type3A_144, %cond3A_145 : i32
    scf.if %cond3A_146 {
      %mul3A_196 = arith.constant 80 : i32
      %mul3A_197 = arith.muli %add3A_141, %mul3A_196 : i32
      %mul3A_198 = arith.constant 10000 : i32
      %mul3A_199 = arith.muli %arg0, %mul3A_198 : i32
      %mul3A_200 = arith.constant 80 : i32
      %mul3A_201 = arith.muli %add3A_141, %mul3A_200 : i32
      %add3A_202 = arith.addi %mul3A_199, %mul3A_201 : i32
      "tpu.region"() ({
        %run_scoped3A = tpu.sem_alloc : memref<!tpu.dma_semaphore, #tpu.memory_space<semaphore_mem>>
        %dma_start3A_203 = arith.constant 0 : i32
        %dma_start3A_204 = tpu.memref_slice %arg7[%add3A_202, %dma_start3A_203] : memref<20000x128xf32, #tpu.memory_space<hbm>> -> memref<80x128xf32, #tpu.memory_space<hbm>>
        %dma_start3A_205 = arith.constant 0 : i32
        %dma_start3A_206 = tpu.memref_slice %arg16[%mul3A_197, %dma_start3A_205] : memref<10000x128xf32, #tpu.memory_space<vmem_shared>> -> memref<80x128xf32, #tpu.memory_space<vmem_shared>>
        tpu.enqueue_dma source(%dma_start3A_206 : memref<80x128xf32, #tpu.memory_space<vmem_shared>>) target(%dma_start3A_204 : memref<80x128xf32, #tpu.memory_space<hbm>>) target_semaphore(%run_scoped3A : memref<!tpu.dma_semaphore, #tpu.memory_space<semaphore_mem>>)
        %dma_wait3A_207 = arith.constant 0 : i32
        %dma_wait3A_208 = tpu.memref_slice %arg7[%add3A_202, %dma_wait3A_207] : memref<20000x128xf32, #tpu.memory_space<hbm>> -> memref<80x128xf32, #tpu.memory_space<hbm>>
        %dma_wait3A_209 = arith.constant 0 : i32
        %dma_wait3A_210 = tpu.memref_slice %arg16[%mul3A_197, %dma_wait3A_209] : memref<10000x128xf32, #tpu.memory_space<vmem_shared>> -> memref<80x128xf32, #tpu.memory_space<vmem_shared>>
        tpu.wait_dma2 semaphore(%run_scoped3A : memref<!tpu.dma_semaphore, #tpu.memory_space<semaphore_mem>>) src(%dma_wait3A_210 : memref<80x128xf32, #tpu.memory_space<vmem_shared>>) dst(%dma_wait3A_208 : memref<80x128xf32, #tpu.memory_space<hbm>>)
        tpu.yield
      }) : () -> ()
    } else {
    }
    %add3A_147 = arith.constant 16 : i32
    %add3A_148 = arith.addi %arg1, %add3A_147 : i32
    %lt3A_149 = arith.constant 125 : i32
    %lt3A_150 = arith.cmpi slt, %add3A_148, %lt3A_149 : i32
    %convert_element_type3A_151 = arith.extui %lt3A_150 : i1 to i32
    %cond3A_152 = arith.constant 0 : i32
    %cond3A_153 = arith.cmpi ne, %convert_element_type3A_151, %cond3A_152 : i32
    scf.if %cond3A_153 {
      %mul3A_196 = arith.constant 80 : i32
      %mul3A_197 = arith.muli %add3A_148, %mul3A_196 : i32
      %mul3A_198 = arith.constant 10000 : i32
      %mul3A_199 = arith.muli %arg0, %mul3A_198 : i32
      %mul3A_200 = arith.constant 80 : i32
      %mul3A_201 = arith.muli %add3A_148, %mul3A_200 : i32
      %add3A_202 = arith.addi %mul3A_199, %mul3A_201 : i32
      "tpu.region"() ({
        %run_scoped3A = tpu.sem_alloc : memref<!tpu.dma_semaphore, #tpu.memory_space<semaphore_mem>>
        %dma_start3A_203 = arith.constant 0 : i32
        %dma_start3A_204 = tpu.memref_slice %arg7[%add3A_202, %dma_start3A_203] : memref<20000x128xf32, #tpu.memory_space<hbm>> -> memref<80x128xf32, #tpu.memory_space<hbm>>
        %dma_start3A_205 = arith.constant 0 : i32
        %dma_start3A_206 = tpu.memref_slice %arg16[%mul3A_197, %dma_start3A_205] : memref<10000x128xf32, #tpu.memory_space<vmem_shared>> -> memref<80x128xf32, #tpu.memory_space<vmem_shared>>
        tpu.enqueue_dma source(%dma_start3A_206 : memref<80x128xf32, #tpu.memory_space<vmem_shared>>) target(%dma_start3A_204 : memref<80x128xf32, #tpu.memory_space<hbm>>) target_semaphore(%run_scoped3A : memref<!tpu.dma_semaphore, #tpu.memory_space<semaphore_mem>>)
        %dma_wait3A_207 = arith.constant 0 : i32
        %dma_wait3A_208 = tpu.memref_slice %arg7[%add3A_202, %dma_wait3A_207] : memref<20000x128xf32, #tpu.memory_space<hbm>> -> memref<80x128xf32, #tpu.memory_space<hbm>>
        %dma_wait3A_209 = arith.constant 0 : i32
        %dma_wait3A_210 = tpu.memref_slice %arg16[%mul3A_197, %dma_wait3A_209] : memref<10000x128xf32, #tpu.memory_space<vmem_shared>> -> memref<80x128xf32, #tpu.memory_space<vmem_shared>>
        tpu.wait_dma2 semaphore(%run_scoped3A : memref<!tpu.dma_semaphore, #tpu.memory_space<semaphore_mem>>) src(%dma_wait3A_210 : memref<80x128xf32, #tpu.memory_space<vmem_shared>>) dst(%dma_wait3A_208 : memref<80x128xf32, #tpu.memory_space<hbm>>)
        tpu.yield
      }) : () -> ()
    } else {
    }
    %add3A_154 = arith.constant 32 : i32
    %add3A_155 = arith.addi %arg1, %add3A_154 : i32
    %lt3A_156 = arith.constant 125 : i32
    %lt3A_157 = arith.cmpi slt, %add3A_155, %lt3A_156 : i32
    %convert_element_type3A_158 = arith.extui %lt3A_157 : i1 to i32
    %cond3A_159 = arith.constant 0 : i32
    %cond3A_160 = arith.cmpi ne, %convert_element_type3A_158, %cond3A_159 : i32
    scf.if %cond3A_160 {
      %mul3A_196 = arith.constant 80 : i32
      %mul3A_197 = arith.muli %add3A_155, %mul3A_196 : i32
      %mul3A_198 = arith.constant 10000 : i32
      %mul3A_199 = arith.muli %arg0, %mul3A_198 : i32
      %mul3A_200 = arith.constant 80 : i32
      %mul3A_201 = arith.muli %add3A_155, %mul3A_200 : i32
      %add3A_202 = arith.addi %mul3A_199, %mul3A_201 : i32
      "tpu.region"() ({
        %run_scoped3A = tpu.sem_alloc : memref<!tpu.dma_semaphore, #tpu.memory_space<semaphore_mem>>
        %dma_start3A_203 = arith.constant 0 : i32
        %dma_start3A_204 = tpu.memref_slice %arg7[%add3A_202, %dma_start3A_203] : memref<20000x128xf32, #tpu.memory_space<hbm>> -> memref<80x128xf32, #tpu.memory_space<hbm>>
        %dma_start3A_205 = arith.constant 0 : i32
        %dma_start3A_206 = tpu.memref_slice %arg16[%mul3A_197, %dma_start3A_205] : memref<10000x128xf32, #tpu.memory_space<vmem_shared>> -> memref<80x128xf32, #tpu.memory_space<vmem_shared>>
        tpu.enqueue_dma source(%dma_start3A_206 : memref<80x128xf32, #tpu.memory_space<vmem_shared>>) target(%dma_start3A_204 : memref<80x128xf32, #tpu.memory_space<hbm>>) target_semaphore(%run_scoped3A : memref<!tpu.dma_semaphore, #tpu.memory_space<semaphore_mem>>)
        %dma_wait3A_207 = arith.constant 0 : i32
        %dma_wait3A_208 = tpu.memref_slice %arg7[%add3A_202, %dma_wait3A_207] : memref<20000x128xf32, #tpu.memory_space<hbm>> -> memref<80x128xf32, #tpu.memory_space<hbm>>
        %dma_wait3A_209 = arith.constant 0 : i32
        %dma_wait3A_210 = tpu.memref_slice %arg16[%mul3A_197, %dma_wait3A_209] : memref<10000x128xf32, #tpu.memory_space<vmem_shared>> -> memref<80x128xf32, #tpu.memory_space<vmem_shared>>
        tpu.wait_dma2 semaphore(%run_scoped3A : memref<!tpu.dma_semaphore, #tpu.memory_space<semaphore_mem>>) src(%dma_wait3A_210 : memref<80x128xf32, #tpu.memory_space<vmem_shared>>) dst(%dma_wait3A_208 : memref<80x128xf32, #tpu.memory_space<hbm>>)
        tpu.yield
      }) : () -> ()
    } else {
    }
    %add3A_161 = arith.constant 48 : i32
    %add3A_162 = arith.addi %arg1, %add3A_161 : i32
    %lt3A_163 = arith.constant 125 : i32
    %lt3A_164 = arith.cmpi slt, %add3A_162, %lt3A_163 : i32
    %convert_element_type3A_165 = arith.extui %lt3A_164 : i1 to i32
    %cond3A_166 = arith.constant 0 : i32
    %cond3A_167 = arith.cmpi ne, %convert_element_type3A_165, %cond3A_166 : i32
    scf.if %cond3A_167 {
      %mul3A_196 = arith.constant 80 : i32
      %mul3A_197 = arith.muli %add3A_162, %mul3A_196 : i32
      %mul3A_198 = arith.constant 10000 : i32
      %mul3A_199 = arith.muli %arg0, %mul3A_198 : i32
      %mul3A_200 = arith.constant 80 : i32
      %mul3A_201 = arith.muli %add3A_162, %mul3A_200 : i32
      %add3A_202 = arith.addi %mul3A_199, %mul3A_201 : i32
      "tpu.region"() ({
        %run_scoped3A = tpu.sem_alloc : memref<!tpu.dma_semaphore, #tpu.memory_space<semaphore_mem>>
        %dma_start3A_203 = arith.constant 0 : i32
        %dma_start3A_204 = tpu.memref_slice %arg7[%add3A_202, %dma_start3A_203] : memref<20000x128xf32, #tpu.memory_space<hbm>> -> memref<80x128xf32, #tpu.memory_space<hbm>>
        %dma_start3A_205 = arith.constant 0 : i32
        %dma_start3A_206 = tpu.memref_slice %arg16[%mul3A_197, %dma_start3A_205] : memref<10000x128xf32, #tpu.memory_space<vmem_shared>> -> memref<80x128xf32, #tpu.memory_space<vmem_shared>>
        tpu.enqueue_dma source(%dma_start3A_206 : memref<80x128xf32, #tpu.memory_space<vmem_shared>>) target(%dma_start3A_204 : memref<80x128xf32, #tpu.memory_space<hbm>>) target_semaphore(%run_scoped3A : memref<!tpu.dma_semaphore, #tpu.memory_space<semaphore_mem>>)
        %dma_wait3A_207 = arith.constant 0 : i32
        %dma_wait3A_208 = tpu.memref_slice %arg7[%add3A_202, %dma_wait3A_207] : memref<20000x128xf32, #tpu.memory_space<hbm>> -> memref<80x128xf32, #tpu.memory_space<hbm>>
        %dma_wait3A_209 = arith.constant 0 : i32
        %dma_wait3A_210 = tpu.memref_slice %arg16[%mul3A_197, %dma_wait3A_209] : memref<10000x128xf32, #tpu.memory_space<vmem_shared>> -> memref<80x128xf32, #tpu.memory_space<vmem_shared>>
        tpu.wait_dma2 semaphore(%run_scoped3A : memref<!tpu.dma_semaphore, #tpu.memory_space<semaphore_mem>>) src(%dma_wait3A_210 : memref<80x128xf32, #tpu.memory_space<vmem_shared>>) dst(%dma_wait3A_208 : memref<80x128xf32, #tpu.memory_space<hbm>>)
        tpu.yield
      }) : () -> ()
    } else {
    }
    %add3A_168 = arith.constant 64 : i32
    %add3A_169 = arith.addi %arg1, %add3A_168 : i32
    %lt3A_170 = arith.constant 125 : i32
    %lt3A_171 = arith.cmpi slt, %add3A_169, %lt3A_170 : i32
    %convert_element_type3A_172 = arith.extui %lt3A_171 : i1 to i32
    %cond3A_173 = arith.constant 0 : i32
    %cond3A_174 = arith.cmpi ne, %convert_element_type3A_172, %cond3A_173 : i32
    scf.if %cond3A_174 {
      %mul3A_196 = arith.constant 80 : i32
      %mul3A_197 = arith.muli %add3A_169, %mul3A_196 : i32
      %mul3A_198 = arith.constant 10000 : i32
      %mul3A_199 = arith.muli %arg0, %mul3A_198 : i32
      %mul3A_200 = arith.constant 80 : i32
      %mul3A_201 = arith.muli %add3A_169, %mul3A_200 : i32
      %add3A_202 = arith.addi %mul3A_199, %mul3A_201 : i32
      "tpu.region"() ({
        %run_scoped3A = tpu.sem_alloc : memref<!tpu.dma_semaphore, #tpu.memory_space<semaphore_mem>>
        %dma_start3A_203 = arith.constant 0 : i32
        %dma_start3A_204 = tpu.memref_slice %arg7[%add3A_202, %dma_start3A_203] : memref<20000x128xf32, #tpu.memory_space<hbm>> -> memref<80x128xf32, #tpu.memory_space<hbm>>
        %dma_start3A_205 = arith.constant 0 : i32
        %dma_start3A_206 = tpu.memref_slice %arg16[%mul3A_197, %dma_start3A_205] : memref<10000x128xf32, #tpu.memory_space<vmem_shared>> -> memref<80x128xf32, #tpu.memory_space<vmem_shared>>
        tpu.enqueue_dma source(%dma_start3A_206 : memref<80x128xf32, #tpu.memory_space<vmem_shared>>) target(%dma_start3A_204 : memref<80x128xf32, #tpu.memory_space<hbm>>) target_semaphore(%run_scoped3A : memref<!tpu.dma_semaphore, #tpu.memory_space<semaphore_mem>>)
        %dma_wait3A_207 = arith.constant 0 : i32
        %dma_wait3A_208 = tpu.memref_slice %arg7[%add3A_202, %dma_wait3A_207] : memref<20000x128xf32, #tpu.memory_space<hbm>> -> memref<80x128xf32, #tpu.memory_space<hbm>>
        %dma_wait3A_209 = arith.constant 0 : i32
        %dma_wait3A_210 = tpu.memref_slice %arg16[%mul3A_197, %dma_wait3A_209] : memref<10000x128xf32, #tpu.memory_space<vmem_shared>> -> memref<80x128xf32, #tpu.memory_space<vmem_shared>>
        tpu.wait_dma2 semaphore(%run_scoped3A : memref<!tpu.dma_semaphore, #tpu.memory_space<semaphore_mem>>) src(%dma_wait3A_210 : memref<80x128xf32, #tpu.memory_space<vmem_shared>>) dst(%dma_wait3A_208 : memref<80x128xf32, #tpu.memory_space<hbm>>)
        tpu.yield
      }) : () -> ()
    } else {
    }
    %add3A_175 = arith.constant 80 : i32
    %add3A_176 = arith.addi %arg1, %add3A_175 : i32
    %lt3A_177 = arith.constant 125 : i32
    %lt3A_178 = arith.cmpi slt, %add3A_176, %lt3A_177 : i32
    %convert_element_type3A_179 = arith.extui %lt3A_178 : i1 to i32
    %cond3A_180 = arith.constant 0 : i32
    %cond3A_181 = arith.cmpi ne, %convert_element_type3A_179, %cond3A_180 : i32
    scf.if %cond3A_181 {
      %mul3A_196 = arith.constant 80 : i32
      %mul3A_197 = arith.muli %add3A_176, %mul3A_196 : i32
      %mul3A_198 = arith.constant 10000 : i32
      %mul3A_199 = arith.muli %arg0, %mul3A_198 : i32
      %mul3A_200 = arith.constant 80 : i32
      %mul3A_201 = arith.muli %add3A_176, %mul3A_200 : i32
      %add3A_202 = arith.addi %mul3A_199, %mul3A_201 : i32
      "tpu.region"() ({
        %run_scoped3A = tpu.sem_alloc : memref<!tpu.dma_semaphore, #tpu.memory_space<semaphore_mem>>
        %dma_start3A_203 = arith.constant 0 : i32
        %dma_start3A_204 = tpu.memref_slice %arg7[%add3A_202, %dma_start3A_203] : memref<20000x128xf32, #tpu.memory_space<hbm>> -> memref<80x128xf32, #tpu.memory_space<hbm>>
        %dma_start3A_205 = arith.constant 0 : i32
        %dma_start3A_206 = tpu.memref_slice %arg16[%mul3A_197, %dma_start3A_205] : memref<10000x128xf32, #tpu.memory_space<vmem_shared>> -> memref<80x128xf32, #tpu.memory_space<vmem_shared>>
        tpu.enqueue_dma source(%dma_start3A_206 : memref<80x128xf32, #tpu.memory_space<vmem_shared>>) target(%dma_start3A_204 : memref<80x128xf32, #tpu.memory_space<hbm>>) target_semaphore(%run_scoped3A : memref<!tpu.dma_semaphore, #tpu.memory_space<semaphore_mem>>)
        %dma_wait3A_207 = arith.constant 0 : i32
        %dma_wait3A_208 = tpu.memref_slice %arg7[%add3A_202, %dma_wait3A_207] : memref<20000x128xf32, #tpu.memory_space<hbm>> -> memref<80x128xf32, #tpu.memory_space<hbm>>
        %dma_wait3A_209 = arith.constant 0 : i32
        %dma_wait3A_210 = tpu.memref_slice %arg16[%mul3A_197, %dma_wait3A_209] : memref<10000x128xf32, #tpu.memory_space<vmem_shared>> -> memref<80x128xf32, #tpu.memory_space<vmem_shared>>
        tpu.wait_dma2 semaphore(%run_scoped3A : memref<!tpu.dma_semaphore, #tpu.memory_space<semaphore_mem>>) src(%dma_wait3A_210 : memref<80x128xf32, #tpu.memory_space<vmem_shared>>) dst(%dma_wait3A_208 : memref<80x128xf32, #tpu.memory_space<hbm>>)
        tpu.yield
      }) : () -> ()
    } else {
    }
    %add3A_182 = arith.constant 96 : i32
    %add3A_183 = arith.addi %arg1, %add3A_182 : i32
    %lt3A_184 = arith.constant 125 : i32
    %lt3A_185 = arith.cmpi slt, %add3A_183, %lt3A_184 : i32
    %convert_element_type3A_186 = arith.extui %lt3A_185 : i1 to i32
    %cond3A_187 = arith.constant 0 : i32
    %cond3A_188 = arith.cmpi ne, %convert_element_type3A_186, %cond3A_187 : i32
    scf.if %cond3A_188 {
      %mul3A_196 = arith.constant 80 : i32
      %mul3A_197 = arith.muli %add3A_183, %mul3A_196 : i32
      %mul3A_198 = arith.constant 10000 : i32
      %mul3A_199 = arith.muli %arg0, %mul3A_198 : i32
      %mul3A_200 = arith.constant 80 : i32
      %mul3A_201 = arith.muli %add3A_183, %mul3A_200 : i32
      %add3A_202 = arith.addi %mul3A_199, %mul3A_201 : i32
      "tpu.region"() ({
        %run_scoped3A = tpu.sem_alloc : memref<!tpu.dma_semaphore, #tpu.memory_space<semaphore_mem>>
        %dma_start3A_203 = arith.constant 0 : i32
        %dma_start3A_204 = tpu.memref_slice %arg7[%add3A_202, %dma_start3A_203] : memref<20000x128xf32, #tpu.memory_space<hbm>> -> memref<80x128xf32, #tpu.memory_space<hbm>>
        %dma_start3A_205 = arith.constant 0 : i32
        %dma_start3A_206 = tpu.memref_slice %arg16[%mul3A_197, %dma_start3A_205] : memref<10000x128xf32, #tpu.memory_space<vmem_shared>> -> memref<80x128xf32, #tpu.memory_space<vmem_shared>>
        tpu.enqueue_dma source(%dma_start3A_206 : memref<80x128xf32, #tpu.memory_space<vmem_shared>>) target(%dma_start3A_204 : memref<80x128xf32, #tpu.memory_space<hbm>>) target_semaphore(%run_scoped3A : memref<!tpu.dma_semaphore, #tpu.memory_space<semaphore_mem>>)
        %dma_wait3A_207 = arith.constant 0 : i32
        %dma_wait3A_208 = tpu.memref_slice %arg7[%add3A_202, %dma_wait3A_207] : memref<20000x128xf32, #tpu.memory_space<hbm>> -> memref<80x128xf32, #tpu.memory_space<hbm>>
        %dma_wait3A_209 = arith.constant 0 : i32
        %dma_wait3A_210 = tpu.memref_slice %arg16[%mul3A_197, %dma_wait3A_209] : memref<10000x128xf32, #tpu.memory_space<vmem_shared>> -> memref<80x128xf32, #tpu.memory_space<vmem_shared>>
        tpu.wait_dma2 semaphore(%run_scoped3A : memref<!tpu.dma_semaphore, #tpu.memory_space<semaphore_mem>>) src(%dma_wait3A_210 : memref<80x128xf32, #tpu.memory_space<vmem_shared>>) dst(%dma_wait3A_208 : memref<80x128xf32, #tpu.memory_space<hbm>>)
        tpu.yield
      }) : () -> ()
    } else {
    }
    %add3A_189 = arith.constant 112 : i32
    %add3A_190 = arith.addi %arg1, %add3A_189 : i32
    %lt3A_191 = arith.constant 125 : i32
    %lt3A_192 = arith.cmpi slt, %add3A_190, %lt3A_191 : i32
    %convert_element_type3A_193 = arith.extui %lt3A_192 : i1 to i32
    %cond3A_194 = arith.constant 0 : i32
    %cond3A_195 = arith.cmpi ne, %convert_element_type3A_193, %cond3A_194 : i32
    scf.if %cond3A_195 {
      %mul3A_196 = arith.constant 80 : i32
      %mul3A_197 = arith.muli %add3A_190, %mul3A_196 : i32
      %mul3A_198 = arith.constant 10000 : i32
      %mul3A_199 = arith.muli %arg0, %mul3A_198 : i32
      %mul3A_200 = arith.constant 80 : i32
      %mul3A_201 = arith.muli %add3A_190, %mul3A_200 : i32
      %add3A_202 = arith.addi %mul3A_199, %mul3A_201 : i32
      "tpu.region"() ({
        %run_scoped3A = tpu.sem_alloc : memref<!tpu.dma_semaphore, #tpu.memory_space<semaphore_mem>>
        %dma_start3A_203 = arith.constant 0 : i32
        %dma_start3A_204 = tpu.memref_slice %arg7[%add3A_202, %dma_start3A_203] : memref<20000x128xf32, #tpu.memory_space<hbm>> -> memref<80x128xf32, #tpu.memory_space<hbm>>
        %dma_start3A_205 = arith.constant 0 : i32
        %dma_start3A_206 = tpu.memref_slice %arg16[%mul3A_197, %dma_start3A_205] : memref<10000x128xf32, #tpu.memory_space<vmem_shared>> -> memref<80x128xf32, #tpu.memory_space<vmem_shared>>
        tpu.enqueue_dma source(%dma_start3A_206 : memref<80x128xf32, #tpu.memory_space<vmem_shared>>) target(%dma_start3A_204 : memref<80x128xf32, #tpu.memory_space<hbm>>) target_semaphore(%run_scoped3A : memref<!tpu.dma_semaphore, #tpu.memory_space<semaphore_mem>>)
        %dma_wait3A_207 = arith.constant 0 : i32
        %dma_wait3A_208 = tpu.memref_slice %arg7[%add3A_202, %dma_wait3A_207] : memref<20000x128xf32, #tpu.memory_space<hbm>> -> memref<80x128xf32, #tpu.memory_space<hbm>>
        %dma_wait3A_209 = arith.constant 0 : i32
        %dma_wait3A_210 = tpu.memref_slice %arg16[%mul3A_197, %dma_wait3A_209] : memref<10000x128xf32, #tpu.memory_space<vmem_shared>> -> memref<80x128xf32, #tpu.memory_space<vmem_shared>>
        tpu.wait_dma2 semaphore(%run_scoped3A : memref<!tpu.dma_semaphore, #tpu.memory_space<semaphore_mem>>) src(%dma_wait3A_210 : memref<80x128xf32, #tpu.memory_space<vmem_shared>>) dst(%dma_wait3A_208 : memref<80x128xf32, #tpu.memory_space<hbm>>)
        tpu.yield
      }) : () -> ()
    } else {
    }
    return
  }
}

module attributes {stable_mosaic.version = 14 : i64} {
  func.func @_combine_kernel(%arg0: i32, %arg1: memref<2x1000x128xf32, #tpu.memory_space<vmem>>, %arg2: memref<1x128xf32, #tpu.memory_space<vmem>>, %arg3: memref<1000x128xf32, #tpu.memory_space<vmem>>) attributes {dimension_semantics = [#tpu.dimension_semantics<arbitrary>], iteration_bounds = array<i64: 10>, scalar_prefetch = 0 : i64, scratch_operands = 0 : i64, tpu.core_type = #tpu.core_type<tc>, window_params = [{transform_indices = @transform_0, window_bounds = array<i64: 2, 1000, 128>}, {pipeline_mode = #tpu.pipeline_mode<synchronous>, transform_indices = @transform_1, window_bounds = array<i64: 1, 128>}, {transform_indices = @transform_2, window_bounds = array<i64: 1000, 128>}]} {
    %get3A = arith.constant 0 : index
    %get3A_0 = arith.constant 0 : index
    %get3A_1 = arith.constant 0 : index
    %get3A_2 = vector.load %arg1[%get3A, %get3A_0, %get3A_1] : memref<2x1000x128xf32, #tpu.memory_space<vmem>>, vector<1x1000x128xf32>
    %get3A_3 = vector.shape_cast %get3A_2 : vector<1x1000x128xf32> to vector<1000x128xf32>
    %get3A_4 = arith.constant 1 : index
    %get3A_5 = arith.constant 0 : index
    %get3A_6 = arith.constant 0 : index
    %get3A_7 = vector.load %arg1[%get3A_4, %get3A_5, %get3A_6] : memref<2x1000x128xf32, #tpu.memory_space<vmem>>, vector<1x1000x128xf32>
    %get3A_8 = vector.shape_cast %get3A_7 : vector<1x1000x128xf32> to vector<1000x128xf32>
    %add3A = arith.addf %get3A_3, %get3A_8 : vector<1000x128xf32>
    %get3A_9 = arith.constant 0 : index
    %get3A_10 = arith.constant 0 : index
    %get3A_11 = vector.load %arg2[%get3A_9, %get3A_10] : memref<1x128xf32, #tpu.memory_space<vmem>>, vector<1x128xf32>
    %add3A_12 = vector.broadcast %get3A_11 : vector<1x128xf32> to vector<1000x128xf32>
    %add3A_13 = arith.addf %add3A, %add3A_12 : vector<1000x128xf32>
    %swap3A = arith.constant 0 : index
    %swap3A_14 = arith.constant 0 : index
    %swap3A_15 = vector.load %arg3[%swap3A, %swap3A_14] : memref<1000x128xf32, #tpu.memory_space<vmem>>, vector<1000x128xf32>
    tpu.vector_store %arg3[%swap3A, %swap3A_14], %add3A_13 {strides = array<i32>} : memref<1000x128xf32, #tpu.memory_space<vmem>>, vector<1000x128xf32>,
    return
  }
  func.func @transform_0(%arg0: i32) -> (i32, i32, i32) {
    %c0_i32 = arith.constant 0 : i32
    %c0_i32_0 = arith.constant 0 : i32
    %c0_i32_1 = arith.constant 0 : i32
    return %c0_i32, %arg0, %c0_i32_0 : i32, i32, i32
  }
  func.func @transform_1(%arg0: i32) -> (i32, i32) {
    %c0_i32 = arith.constant 0 : i32
    %c0_i32_0 = arith.constant 0 : i32
    %c0_i32_1 = arith.constant 0 : i32
    return %c0_i32, %c0_i32_0 : i32, i32
  }
  func.func @transform_2(%arg0: i32) -> (i32, i32) {
    %c0_i32 = arith.constant 0 : i32
    %c0_i32_0 = arith.constant 0 : i32
    return %arg0, %c0_i32 : i32, i32
  }
}

module attributes {stable_mosaic.version = 14 : i64} {
  func.func @_expand_kernel(%arg0: i32, %arg1: memref<400x128xf32, #tpu.memory_space<vmem>>, %arg2: memref<1x128xf32, #tpu.memory_space<vmem>>, %arg3: memref<1x128xf32, #tpu.memory_space<vmem>>, %arg4: memref<1x128xf32, #tpu.memory_space<vmem>>, %arg5: memref<1x128xf32, #tpu.memory_space<vmem>>, %arg6: memref<27x128x128xf32, #tpu.memory_space<vmem>>, %arg7: memref<27x400x128xf32, #tpu.memory_space<vmem>>) attributes {dimension_semantics = [#tpu.dimension_semantics<arbitrary>], iteration_bounds = array<i64: 25>, scalar_prefetch = 0 : i64, scratch_operands = 0 : i64, tpu.core_type = #tpu.core_type<tc>, window_params = [{transform_indices = @transform_0, window_bounds = array<i64: 400, 128>}, {pipeline_mode = #tpu.pipeline_mode<synchronous>, transform_indices = @transform_1, window_bounds = array<i64: 1, 128>}, {pipeline_mode = #tpu.pipeline_mode<synchronous>, transform_indices = @transform_2, window_bounds = array<i64: 1, 128>}, {pipeline_mode = #tpu.pipeline_mode<synchronous>, transform_indices = @transform_3, window_bounds = array<i64: 1, 128>}, {pipeline_mode = #tpu.pipeline_mode<synchronous>, transform_indices = @transform_4, window_bounds = array<i64: 1, 128>}, {pipeline_mode = #tpu.pipeline_mode<synchronous>, transform_indices = @transform_5, window_bounds = array<i64: 27, 128, 128>}, {transform_indices = @transform_6, window_bounds = array<i64: 27, 400, 128>}]} {
    %get3A = arith.constant 0 : index
    %get3A_0 = arith.constant 0 : index
    %get3A_1 = vector.load %arg1[%get3A, %get3A_0] : memref<400x128xf32, #tpu.memory_space<vmem>>, vector<400x128xf32>
    %get3A_2 = arith.constant 0 : index
    %get3A_3 = arith.constant 0 : index
    %get3A_4 = vector.load %arg2[%get3A_2, %get3A_3] : memref<1x128xf32, #tpu.memory_space<vmem>>, vector<1x128xf32>
    %get3A_5 = arith.constant 0 : index
    %get3A_6 = arith.constant 0 : index
    %get3A_7 = vector.load %arg5[%get3A_5, %get3A_6] : memref<1x128xf32, #tpu.memory_space<vmem>>, vector<1x128xf32>
    %add3A = arith.constant 9.99999974E-6 : f32
    %add3A_8 = vector.broadcast %add3A : f32 to vector<1x128xf32>
    %add3A_9 = arith.addf %get3A_7, %add3A_8 : vector<1x128xf32>
    %rsqrt3A = math.rsqrt %add3A_9 : vector<1x128xf32>
    %mul3A = arith.mulf %get3A_4, %rsqrt3A : vector<1x128xf32>
    %get3A_10 = arith.constant 0 : index
    %get3A_11 = arith.constant 0 : index
    %get3A_12 = vector.load %arg4[%get3A_10, %get3A_11] : memref<1x128xf32, #tpu.memory_space<vmem>>, vector<1x128xf32>
    %sub3A = vector.broadcast %get3A_12 : vector<1x128xf32> to vector<400x128xf32>
    %sub3A_13 = arith.subf %get3A_1, %sub3A : vector<400x128xf32>
    %mul3A_14 = vector.broadcast %mul3A : vector<1x128xf32> to vector<400x128xf32>
    %mul3A_15 = arith.mulf %sub3A_13, %mul3A_14 : vector<400x128xf32>
    %get3A_16 = arith.constant 0 : index
    %get3A_17 = arith.constant 0 : index
    %get3A_18 = vector.load %arg3[%get3A_16, %get3A_17] : memref<1x128xf32, #tpu.memory_space<vmem>>, vector<1x128xf32>
    %add3A_19 = vector.broadcast %get3A_18 : vector<1x128xf32> to vector<400x128xf32>
    %add3A_20 = arith.addf %mul3A_15, %add3A_19 : vector<400x128xf32>
    %neg3A = arith.constant 0.000000e+00 : f32
    %neg3A_21 = vector.broadcast %neg3A : f32 to vector<400x128xf32>
    %neg3A_22 = arith.subf %neg3A_21, %add3A_20 : vector<400x128xf32>
    %exp3A = math.exp %neg3A_22 : vector<400x128xf32>
    %add3A_23 = arith.constant 1.000000e+00 : f32
    %add3A_24 = vector.broadcast %add3A_23 : f32 to vector<400x128xf32>
    %add3A_25 = arith.addf %add3A_24, %exp3A : vector<400x128xf32>
    %div3A = arith.constant 1.000000e+00 : f32
    %div3A_26 = vector.broadcast %div3A : f32 to vector<400x128xf32>
    %div3A_27 = arith.divf %div3A_26, %add3A_25 : vector<400x128xf32>
    %mul3A_28 = arith.mulf %add3A_20, %div3A_27 : vector<400x128xf32>
    %get3A_29 = arith.constant 0 : index
    %get3A_30 = arith.constant 0 : index
    %get3A_31 = arith.constant 0 : index
    %get3A_32 = vector.load %arg6[%get3A_29, %get3A_30, %get3A_31] : memref<27x128x128xf32, #tpu.memory_space<vmem>>, vector<1x128x128xf32>
    %get3A_33 = vector.shape_cast %get3A_32 : vector<1x128x128xf32> to vector<128x128xf32>
    %dot_general3A = arith.constant dense<0.000000e+00> : vector<400x128xf32>
    %dot_general3A_34 = tpu.matmul %mul3A_28, %get3A_33, %dot_general3A {dimension_numbers = #tpu.dot_dimension_numbers<[1], [0], [0], [1], [0, 0, 1, 1], [], []>, transpose_lhs_hint = false} : vector<400x128xf32>, vector<128x128xf32>, vector<400x128xf32> -> vector<400x128xf32>
    %swap3A = arith.constant 0 : index
    %swap3A_35 = arith.constant 0 : index
    %swap3A_36 = arith.constant 0 : index
    %swap3A_37 = vector.load %arg7[%swap3A, %swap3A_35, %swap3A_36] : memref<27x400x128xf32, #tpu.memory_space<vmem>>, vector<1x400x128xf32>
    %swap3A_38 = vector.shape_cast %swap3A_37 : vector<1x400x128xf32> to vector<400x128xf32>
    %swap3A_39 = vector.shape_cast %dot_general3A_34 : vector<400x128xf32> to vector<1x400x128xf32>
    tpu.vector_store %arg7[%swap3A, %swap3A_35, %swap3A_36], %swap3A_39 {strides = array<i32>} : memref<27x400x128xf32, #tpu.memory_space<vmem>>, vector<1x400x128xf32>,
    %get3A_40 = arith.constant 1 : index
    %get3A_41 = arith.constant 0 : index
    %get3A_42 = arith.constant 0 : index
    %get3A_43 = vector.load %arg6[%get3A_40, %get3A_41, %get3A_42] : memref<27x128x128xf32, #tpu.memory_space<vmem>>, vector<1x128x128xf32>
    %get3A_44 = vector.shape_cast %get3A_43 : vector<1x128x128xf32> to vector<128x128xf32>
    %dot_general3A_45 = arith.constant dense<0.000000e+00> : vector<400x128xf32>
    %dot_general3A_46 = tpu.matmul %mul3A_28, %get3A_44, %dot_general3A_45 {dimension_numbers = #tpu.dot_dimension_numbers<[1], [0], [0], [1], [0, 0, 1, 1], [], []>, transpose_lhs_hint = false} : vector<400x128xf32>, vector<128x128xf32>, vector<400x128xf32> -> vector<400x128xf32>
    %swap3A_47 = arith.constant 1 : index
    %swap3A_48 = arith.constant 0 : index
    %swap3A_49 = arith.constant 0 : index
    %swap3A_50 = vector.load %arg7[%swap3A_47, %swap3A_48, %swap3A_49] : memref<27x400x128xf32, #tpu.memory_space<vmem>>, vector<1x400x128xf32>
    %swap3A_51 = vector.shape_cast %swap3A_50 : vector<1x400x128xf32> to vector<400x128xf32>
    %swap3A_52 = vector.shape_cast %dot_general3A_46 : vector<400x128xf32> to vector<1x400x128xf32>
    tpu.vector_store %arg7[%swap3A_47, %swap3A_48, %swap3A_49], %swap3A_52 {strides = array<i32>} : memref<27x400x128xf32, #tpu.memory_space<vmem>>, vector<1x400x128xf32>,
    %get3A_53 = arith.constant 2 : index
    %get3A_54 = arith.constant 0 : index
    %get3A_55 = arith.constant 0 : index
    %get3A_56 = vector.load %arg6[%get3A_53, %get3A_54, %get3A_55] : memref<27x128x128xf32, #tpu.memory_space<vmem>>, vector<1x128x128xf32>
    %get3A_57 = vector.shape_cast %get3A_56 : vector<1x128x128xf32> to vector<128x128xf32>
    %dot_general3A_58 = arith.constant dense<0.000000e+00> : vector<400x128xf32>
    %dot_general3A_59 = tpu.matmul %mul3A_28, %get3A_57, %dot_general3A_58 {dimension_numbers = #tpu.dot_dimension_numbers<[1], [0], [0], [1], [0, 0, 1, 1], [], []>, transpose_lhs_hint = false} : vector<400x128xf32>, vector<128x128xf32>, vector<400x128xf32> -> vector<400x128xf32>
    %swap3A_60 = arith.constant 2 : index
    %swap3A_61 = arith.constant 0 : index
    %swap3A_62 = arith.constant 0 : index
    %swap3A_63 = vector.load %arg7[%swap3A_60, %swap3A_61, %swap3A_62] : memref<27x400x128xf32, #tpu.memory_space<vmem>>, vector<1x400x128xf32>
    %swap3A_64 = vector.shape_cast %swap3A_63 : vector<1x400x128xf32> to vector<400x128xf32>
    %swap3A_65 = vector.shape_cast %dot_general3A_59 : vector<400x128xf32> to vector<1x400x128xf32>
    tpu.vector_store %arg7[%swap3A_60, %swap3A_61, %swap3A_62], %swap3A_65 {strides = array<i32>} : memref<27x400x128xf32, #tpu.memory_space<vmem>>, vector<1x400x128xf32>,
    %get3A_66 = arith.constant 3 : index
    %get3A_67 = arith.constant 0 : index
    %get3A_68 = arith.constant 0 : index
    %get3A_69 = vector.load %arg6[%get3A_66, %get3A_67, %get3A_68] : memref<27x128x128xf32, #tpu.memory_space<vmem>>, vector<1x128x128xf32>
    %get3A_70 = vector.shape_cast %get3A_69 : vector<1x128x128xf32> to vector<128x128xf32>
    %dot_general3A_71 = arith.constant dense<0.000000e+00> : vector<400x128xf32>
    %dot_general3A_72 = tpu.matmul %mul3A_28, %get3A_70, %dot_general3A_71 {dimension_numbers = #tpu.dot_dimension_numbers<[1], [0], [0], [1], [0, 0, 1, 1], [], []>, transpose_lhs_hint = false} : vector<400x128xf32>, vector<128x128xf32>, vector<400x128xf32> -> vector<400x128xf32>
    %swap3A_73 = arith.constant 3 : index
    %swap3A_74 = arith.constant 0 : index
    %swap3A_75 = arith.constant 0 : index
    %swap3A_76 = vector.load %arg7[%swap3A_73, %swap3A_74, %swap3A_75] : memref<27x400x128xf32, #tpu.memory_space<vmem>>, vector<1x400x128xf32>
    %swap3A_77 = vector.shape_cast %swap3A_76 : vector<1x400x128xf32> to vector<400x128xf32>
    %swap3A_78 = vector.shape_cast %dot_general3A_72 : vector<400x128xf32> to vector<1x400x128xf32>
    tpu.vector_store %arg7[%swap3A_73, %swap3A_74, %swap3A_75], %swap3A_78 {strides = array<i32>} : memref<27x400x128xf32, #tpu.memory_space<vmem>>, vector<1x400x128xf32>,
    %get3A_79 = arith.constant 4 : index
    %get3A_80 = arith.constant 0 : index
    %get3A_81 = arith.constant 0 : index
    %get3A_82 = vector.load %arg6[%get3A_79, %get3A_80, %get3A_81] : memref<27x128x128xf32, #tpu.memory_space<vmem>>, vector<1x128x128xf32>
    %get3A_83 = vector.shape_cast %get3A_82 : vector<1x128x128xf32> to vector<128x128xf32>
    %dot_general3A_84 = arith.constant dense<0.000000e+00> : vector<400x128xf32>
    %dot_general3A_85 = tpu.matmul %mul3A_28, %get3A_83, %dot_general3A_84 {dimension_numbers = #tpu.dot_dimension_numbers<[1], [0], [0], [1], [0, 0, 1, 1], [], []>, transpose_lhs_hint = false} : vector<400x128xf32>, vector<128x128xf32>, vector<400x128xf32> -> vector<400x128xf32>
    %swap3A_86 = arith.constant 4 : index
    %swap3A_87 = arith.constant 0 : index
    %swap3A_88 = arith.constant 0 : index
    %swap3A_89 = vector.load %arg7[%swap3A_86, %swap3A_87, %swap3A_88] : memref<27x400x128xf32, #tpu.memory_space<vmem>>, vector<1x400x128xf32>
    %swap3A_90 = vector.shape_cast %swap3A_89 : vector<1x400x128xf32> to vector<400x128xf32>
    %swap3A_91 = vector.shape_cast %dot_general3A_85 : vector<400x128xf32> to vector<1x400x128xf32>
    tpu.vector_store %arg7[%swap3A_86, %swap3A_87, %swap3A_88], %swap3A_91 {strides = array<i32>} : memref<27x400x128xf32, #tpu.memory_space<vmem>>, vector<1x400x128xf32>,
    %get3A_92 = arith.constant 5 : index
    %get3A_93 = arith.constant 0 : index
    %get3A_94 = arith.constant 0 : index
    %get3A_95 = vector.load %arg6[%get3A_92, %get3A_93, %get3A_94] : memref<27x128x128xf32, #tpu.memory_space<vmem>>, vector<1x128x128xf32>
    %get3A_96 = vector.shape_cast %get3A_95 : vector<1x128x128xf32> to vector<128x128xf32>
    %dot_general3A_97 = arith.constant dense<0.000000e+00> : vector<400x128xf32>
    %dot_general3A_98 = tpu.matmul %mul3A_28, %get3A_96, %dot_general3A_97 {dimension_numbers = #tpu.dot_dimension_numbers<[1], [0], [0], [1], [0, 0, 1, 1], [], []>, transpose_lhs_hint = false} : vector<400x128xf32>, vector<128x128xf32>, vector<400x128xf32> -> vector<400x128xf32>
    %swap3A_99 = arith.constant 5 : index
    %swap3A_100 = arith.constant 0 : index
    %swap3A_101 = arith.constant 0 : index
    %swap3A_102 = vector.load %arg7[%swap3A_99, %swap3A_100, %swap3A_101] : memref<27x400x128xf32, #tpu.memory_space<vmem>>, vector<1x400x128xf32>
    %swap3A_103 = vector.shape_cast %swap3A_102 : vector<1x400x128xf32> to vector<400x128xf32>
    %swap3A_104 = vector.shape_cast %dot_general3A_98 : vector<400x128xf32> to vector<1x400x128xf32>
    tpu.vector_store %arg7[%swap3A_99, %swap3A_100, %swap3A_101], %swap3A_104 {strides = array<i32>} : memref<27x400x128xf32, #tpu.memory_space<vmem>>, vector<1x400x128xf32>,
    %get3A_105 = arith.constant 6 : index
    %get3A_106 = arith.constant 0 : index
    %get3A_107 = arith.constant 0 : index
    %get3A_108 = vector.load %arg6[%get3A_105, %get3A_106, %get3A_107] : memref<27x128x128xf32, #tpu.memory_space<vmem>>, vector<1x128x128xf32>
    %get3A_109 = vector.shape_cast %get3A_108 : vector<1x128x128xf32> to vector<128x128xf32>
    %dot_general3A_110 = arith.constant dense<0.000000e+00> : vector<400x128xf32>
    %dot_general3A_111 = tpu.matmul %mul3A_28, %get3A_109, %dot_general3A_110 {dimension_numbers = #tpu.dot_dimension_numbers<[1], [0], [0], [1], [0, 0, 1, 1], [], []>, transpose_lhs_hint = false} : vector<400x128xf32>, vector<128x128xf32>, vector<400x128xf32> -> vector<400x128xf32>
    %swap3A_112 = arith.constant 6 : index
    %swap3A_113 = arith.constant 0 : index
    %swap3A_114 = arith.constant 0 : index
    %swap3A_115 = vector.load %arg7[%swap3A_112, %swap3A_113, %swap3A_114] : memref<27x400x128xf32, #tpu.memory_space<vmem>>, vector<1x400x128xf32>
    %swap3A_116 = vector.shape_cast %swap3A_115 : vector<1x400x128xf32> to vector<400x128xf32>
    %swap3A_117 = vector.shape_cast %dot_general3A_111 : vector<400x128xf32> to vector<1x400x128xf32>
    tpu.vector_store %arg7[%swap3A_112, %swap3A_113, %swap3A_114], %swap3A_117 {strides = array<i32>} : memref<27x400x128xf32, #tpu.memory_space<vmem>>, vector<1x400x128xf32>,
    %get3A_118 = arith.constant 7 : index
    %get3A_119 = arith.constant 0 : index
    %get3A_120 = arith.constant 0 : index
    %get3A_121 = vector.load %arg6[%get3A_118, %get3A_119, %get3A_120] : memref<27x128x128xf32, #tpu.memory_space<vmem>>, vector<1x128x128xf32>
    %get3A_122 = vector.shape_cast %get3A_121 : vector<1x128x128xf32> to vector<128x128xf32>
    %dot_general3A_123 = arith.constant dense<0.000000e+00> : vector<400x128xf32>
    %dot_general3A_124 = tpu.matmul %mul3A_28, %get3A_122, %dot_general3A_123 {dimension_numbers = #tpu.dot_dimension_numbers<[1], [0], [0], [1], [0, 0, 1, 1], [], []>, transpose_lhs_hint = false} : vector<400x128xf32>, vector<128x128xf32>, vector<400x128xf32> -> vector<400x128xf32>
    %swap3A_125 = arith.constant 7 : index
    %swap3A_126 = arith.constant 0 : index
    %swap3A_127 = arith.constant 0 : index
    %swap3A_128 = vector.load %arg7[%swap3A_125, %swap3A_126, %swap3A_127] : memref<27x400x128xf32, #tpu.memory_space<vmem>>, vector<1x400x128xf32>
    %swap3A_129 = vector.shape_cast %swap3A_128 : vector<1x400x128xf32> to vector<400x128xf32>
    %swap3A_130 = vector.shape_cast %dot_general3A_124 : vector<400x128xf32> to vector<1x400x128xf32>
    tpu.vector_store %arg7[%swap3A_125, %swap3A_126, %swap3A_127], %swap3A_130 {strides = array<i32>} : memref<27x400x128xf32, #tpu.memory_space<vmem>>, vector<1x400x128xf32>,
    %get3A_131 = arith.constant 8 : index
    %get3A_132 = arith.constant 0 : index
    %get3A_133 = arith.constant 0 : index
    %get3A_134 = vector.load %arg6[%get3A_131, %get3A_132, %get3A_133] : memref<27x128x128xf32, #tpu.memory_space<vmem>>, vector<1x128x128xf32>
    %get3A_135 = vector.shape_cast %get3A_134 : vector<1x128x128xf32> to vector<128x128xf32>
    %dot_general3A_136 = arith.constant dense<0.000000e+00> : vector<400x128xf32>
    %dot_general3A_137 = tpu.matmul %mul3A_28, %get3A_135, %dot_general3A_136 {dimension_numbers = #tpu.dot_dimension_numbers<[1], [0], [0], [1], [0, 0, 1, 1], [], []>, transpose_lhs_hint = false} : vector<400x128xf32>, vector<128x128xf32>, vector<400x128xf32> -> vector<400x128xf32>
    %swap3A_138 = arith.constant 8 : index
    %swap3A_139 = arith.constant 0 : index
    %swap3A_140 = arith.constant 0 : index
    %swap3A_141 = vector.load %arg7[%swap3A_138, %swap3A_139, %swap3A_140] : memref<27x400x128xf32, #tpu.memory_space<vmem>>, vector<1x400x128xf32>
    %swap3A_142 = vector.shape_cast %swap3A_141 : vector<1x400x128xf32> to vector<400x128xf32>
    %swap3A_143 = vector.shape_cast %dot_general3A_137 : vector<400x128xf32> to vector<1x400x128xf32>
    tpu.vector_store %arg7[%swap3A_138, %swap3A_139, %swap3A_140], %swap3A_143 {strides = array<i32>} : memref<27x400x128xf32, #tpu.memory_space<vmem>>, vector<1x400x128xf32>,
    %get3A_144 = arith.constant 9 : index
    %get3A_145 = arith.constant 0 : index
    %get3A_146 = arith.constant 0 : index
    %get3A_147 = vector.load %arg6[%get3A_144, %get3A_145, %get3A_146] : memref<27x128x128xf32, #tpu.memory_space<vmem>>, vector<1x128x128xf32>
    %get3A_148 = vector.shape_cast %get3A_147 : vector<1x128x128xf32> to vector<128x128xf32>
    %dot_general3A_149 = arith.constant dense<0.000000e+00> : vector<400x128xf32>
    %dot_general3A_150 = tpu.matmul %mul3A_28, %get3A_148, %dot_general3A_149 {dimension_numbers = #tpu.dot_dimension_numbers<[1], [0], [0], [1], [0, 0, 1, 1], [], []>, transpose_lhs_hint = false} : vector<400x128xf32>, vector<128x128xf32>, vector<400x128xf32> -> vector<400x128xf32>
    %swap3A_151 = arith.constant 9 : index
    %swap3A_152 = arith.constant 0 : index
    %swap3A_153 = arith.constant 0 : index
    %swap3A_154 = vector.load %arg7[%swap3A_151, %swap3A_152, %swap3A_153] : memref<27x400x128xf32, #tpu.memory_space<vmem>>, vector<1x400x128xf32>
    %swap3A_155 = vector.shape_cast %swap3A_154 : vector<1x400x128xf32> to vector<400x128xf32>
    %swap3A_156 = vector.shape_cast %dot_general3A_150 : vector<400x128xf32> to vector<1x400x128xf32>
    tpu.vector_store %arg7[%swap3A_151, %swap3A_152, %swap3A_153], %swap3A_156 {strides = array<i32>} : memref<27x400x128xf32, #tpu.memory_space<vmem>>, vector<1x400x128xf32>,
    %get3A_157 = arith.constant 10 : index
    %get3A_158 = arith.constant 0 : index
    %get3A_159 = arith.constant 0 : index
    %get3A_160 = vector.load %arg6[%get3A_157, %get3A_158, %get3A_159] : memref<27x128x128xf32, #tpu.memory_space<vmem>>, vector<1x128x128xf32>
    %get3A_161 = vector.shape_cast %get3A_160 : vector<1x128x128xf32> to vector<128x128xf32>
    %dot_general3A_162 = arith.constant dense<0.000000e+00> : vector<400x128xf32>
    %dot_general3A_163 = tpu.matmul %mul3A_28, %get3A_161, %dot_general3A_162 {dimension_numbers = #tpu.dot_dimension_numbers<[1], [0], [0], [1], [0, 0, 1, 1], [], []>, transpose_lhs_hint = false} : vector<400x128xf32>, vector<128x128xf32>, vector<400x128xf32> -> vector<400x128xf32>
    %swap3A_164 = arith.constant 10 : index
    %swap3A_165 = arith.constant 0 : index
    %swap3A_166 = arith.constant 0 : index
    %swap3A_167 = vector.load %arg7[%swap3A_164, %swap3A_165, %swap3A_166] : memref<27x400x128xf32, #tpu.memory_space<vmem>>, vector<1x400x128xf32>
    %swap3A_168 = vector.shape_cast %swap3A_167 : vector<1x400x128xf32> to vector<400x128xf32>
    %swap3A_169 = vector.shape_cast %dot_general3A_163 : vector<400x128xf32> to vector<1x400x128xf32>
    tpu.vector_store %arg7[%swap3A_164, %swap3A_165, %swap3A_166], %swap3A_169 {strides = array<i32>} : memref<27x400x128xf32, #tpu.memory_space<vmem>>, vector<1x400x128xf32>,
    %get3A_170 = arith.constant 11 : index
    %get3A_171 = arith.constant 0 : index
    %get3A_172 = arith.constant 0 : index
    %get3A_173 = vector.load %arg6[%get3A_170, %get3A_171, %get3A_172] : memref<27x128x128xf32, #tpu.memory_space<vmem>>, vector<1x128x128xf32>
    %get3A_174 = vector.shape_cast %get3A_173 : vector<1x128x128xf32> to vector<128x128xf32>
    %dot_general3A_175 = arith.constant dense<0.000000e+00> : vector<400x128xf32>
    %dot_general3A_176 = tpu.matmul %mul3A_28, %get3A_174, %dot_general3A_175 {dimension_numbers = #tpu.dot_dimension_numbers<[1], [0], [0], [1], [0, 0, 1, 1], [], []>, transpose_lhs_hint = false} : vector<400x128xf32>, vector<128x128xf32>, vector<400x128xf32> -> vector<400x128xf32>
    %swap3A_177 = arith.constant 11 : index
    %swap3A_178 = arith.constant 0 : index
    %swap3A_179 = arith.constant 0 : index
    %swap3A_180 = vector.load %arg7[%swap3A_177, %swap3A_178, %swap3A_179] : memref<27x400x128xf32, #tpu.memory_space<vmem>>, vector<1x400x128xf32>
    %swap3A_181 = vector.shape_cast %swap3A_180 : vector<1x400x128xf32> to vector<400x128xf32>
    %swap3A_182 = vector.shape_cast %dot_general3A_176 : vector<400x128xf32> to vector<1x400x128xf32>
    tpu.vector_store %arg7[%swap3A_177, %swap3A_178, %swap3A_179], %swap3A_182 {strides = array<i32>} : memref<27x400x128xf32, #tpu.memory_space<vmem>>, vector<1x400x128xf32>,
    %get3A_183 = arith.constant 12 : index
    %get3A_184 = arith.constant 0 : index
    %get3A_185 = arith.constant 0 : index
    %get3A_186 = vector.load %arg6[%get3A_183, %get3A_184, %get3A_185] : memref<27x128x128xf32, #tpu.memory_space<vmem>>, vector<1x128x128xf32>
    %get3A_187 = vector.shape_cast %get3A_186 : vector<1x128x128xf32> to vector<128x128xf32>
    %dot_general3A_188 = arith.constant dense<0.000000e+00> : vector<400x128xf32>
    %dot_general3A_189 = tpu.matmul %mul3A_28, %get3A_187, %dot_general3A_188 {dimension_numbers = #tpu.dot_dimension_numbers<[1], [0], [0], [1], [0, 0, 1, 1], [], []>, transpose_lhs_hint = false} : vector<400x128xf32>, vector<128x128xf32>, vector<400x128xf32> -> vector<400x128xf32>
    %swap3A_190 = arith.constant 12 : index
    %swap3A_191 = arith.constant 0 : index
    %swap3A_192 = arith.constant 0 : index
    %swap3A_193 = vector.load %arg7[%swap3A_190, %swap3A_191, %swap3A_192] : memref<27x400x128xf32, #tpu.memory_space<vmem>>, vector<1x400x128xf32>
    %swap3A_194 = vector.shape_cast %swap3A_193 : vector<1x400x128xf32> to vector<400x128xf32>
    %swap3A_195 = vector.shape_cast %dot_general3A_189 : vector<400x128xf32> to vector<1x400x128xf32>
    tpu.vector_store %arg7[%swap3A_190, %swap3A_191, %swap3A_192], %swap3A_195 {strides = array<i32>} : memref<27x400x128xf32, #tpu.memory_space<vmem>>, vector<1x400x128xf32>,
    %get3A_196 = arith.constant 13 : index
    %get3A_197 = arith.constant 0 : index
    %get3A_198 = arith.constant 0 : index
    %get3A_199 = vector.load %arg6[%get3A_196, %get3A_197, %get3A_198] : memref<27x128x128xf32, #tpu.memory_space<vmem>>, vector<1x128x128xf32>
    %get3A_200 = vector.shape_cast %get3A_199 : vector<1x128x128xf32> to vector<128x128xf32>
    %dot_general3A_201 = arith.constant dense<0.000000e+00> : vector<400x128xf32>
    %dot_general3A_202 = tpu.matmul %mul3A_28, %get3A_200, %dot_general3A_201 {dimension_numbers = #tpu.dot_dimension_numbers<[1], [0], [0], [1], [0, 0, 1, 1], [], []>, transpose_lhs_hint = false} : vector<400x128xf32>, vector<128x128xf32>, vector<400x128xf32> -> vector<400x128xf32>
    %swap3A_203 = arith.constant 13 : index
    %swap3A_204 = arith.constant 0 : index
    %swap3A_205 = arith.constant 0 : index
    %swap3A_206 = vector.load %arg7[%swap3A_203, %swap3A_204, %swap3A_205] : memref<27x400x128xf32, #tpu.memory_space<vmem>>, vector<1x400x128xf32>
    %swap3A_207 = vector.shape_cast %swap3A_206 : vector<1x400x128xf32> to vector<400x128xf32>
    %swap3A_208 = vector.shape_cast %dot_general3A_202 : vector<400x128xf32> to vector<1x400x128xf32>
    tpu.vector_store %arg7[%swap3A_203, %swap3A_204, %swap3A_205], %swap3A_208 {strides = array<i32>} : memref<27x400x128xf32, #tpu.memory_space<vmem>>, vector<1x400x128xf32>,
    %get3A_209 = arith.constant 14 : index
    %get3A_210 = arith.constant 0 : index
    %get3A_211 = arith.constant 0 : index
    %get3A_212 = vector.load %arg6[%get3A_209, %get3A_210, %get3A_211] : memref<27x128x128xf32, #tpu.memory_space<vmem>>, vector<1x128x128xf32>
    %get3A_213 = vector.shape_cast %get3A_212 : vector<1x128x128xf32> to vector<128x128xf32>
    %dot_general3A_214 = arith.constant dense<0.000000e+00> : vector<400x128xf32>
    %dot_general3A_215 = tpu.matmul %mul3A_28, %get3A_213, %dot_general3A_214 {dimension_numbers = #tpu.dot_dimension_numbers<[1], [0], [0], [1], [0, 0, 1, 1], [], []>, transpose_lhs_hint = false} : vector<400x128xf32>, vector<128x128xf32>, vector<400x128xf32> -> vector<400x128xf32>
    %swap3A_216 = arith.constant 14 : index
    %swap3A_217 = arith.constant 0 : index
    %swap3A_218 = arith.constant 0 : index
    %swap3A_219 = vector.load %arg7[%swap3A_216, %swap3A_217, %swap3A_218] : memref<27x400x128xf32, #tpu.memory_space<vmem>>, vector<1x400x128xf32>
    %swap3A_220 = vector.shape_cast %swap3A_219 : vector<1x400x128xf32> to vector<400x128xf32>
    %swap3A_221 = vector.shape_cast %dot_general3A_215 : vector<400x128xf32> to vector<1x400x128xf32>
    tpu.vector_store %arg7[%swap3A_216, %swap3A_217, %swap3A_218], %swap3A_221 {strides = array<i32>} : memref<27x400x128xf32, #tpu.memory_space<vmem>>, vector<1x400x128xf32>,
    %get3A_222 = arith.constant 15 : index
    %get3A_223 = arith.constant 0 : index
    %get3A_224 = arith.constant 0 : index
    %get3A_225 = vector.load %arg6[%get3A_222, %get3A_223, %get3A_224] : memref<27x128x128xf32, #tpu.memory_space<vmem>>, vector<1x128x128xf32>
    %get3A_226 = vector.shape_cast %get3A_225 : vector<1x128x128xf32> to vector<128x128xf32>
    %dot_general3A_227 = arith.constant dense<0.000000e+00> : vector<400x128xf32>
    %dot_general3A_228 = tpu.matmul %mul3A_28, %get3A_226, %dot_general3A_227 {dimension_numbers = #tpu.dot_dimension_numbers<[1], [0], [0], [1], [0, 0, 1, 1], [], []>, transpose_lhs_hint = false} : vector<400x128xf32>, vector<128x128xf32>, vector<400x128xf32> -> vector<400x128xf32>
    %swap3A_229 = arith.constant 15 : index
    %swap3A_230 = arith.constant 0 : index
    %swap3A_231 = arith.constant 0 : index
    %swap3A_232 = vector.load %arg7[%swap3A_229, %swap3A_230, %swap3A_231] : memref<27x400x128xf32, #tpu.memory_space<vmem>>, vector<1x400x128xf32>
    %swap3A_233 = vector.shape_cast %swap3A_232 : vector<1x400x128xf32> to vector<400x128xf32>
    %swap3A_234 = vector.shape_cast %dot_general3A_228 : vector<400x128xf32> to vector<1x400x128xf32>
    tpu.vector_store %arg7[%swap3A_229, %swap3A_230, %swap3A_231], %swap3A_234 {strides = array<i32>} : memref<27x400x128xf32, #tpu.memory_space<vmem>>, vector<1x400x128xf32>,
    %get3A_235 = arith.constant 16 : index
    %get3A_236 = arith.constant 0 : index
    %get3A_237 = arith.constant 0 : index
    %get3A_238 = vector.load %arg6[%get3A_235, %get3A_236, %get3A_237] : memref<27x128x128xf32, #tpu.memory_space<vmem>>, vector<1x128x128xf32>
    %get3A_239 = vector.shape_cast %get3A_238 : vector<1x128x128xf32> to vector<128x128xf32>
    %dot_general3A_240 = arith.constant dense<0.000000e+00> : vector<400x128xf32>
    %dot_general3A_241 = tpu.matmul %mul3A_28, %get3A_239, %dot_general3A_240 {dimension_numbers = #tpu.dot_dimension_numbers<[1], [0], [0], [1], [0, 0, 1, 1], [], []>, transpose_lhs_hint = false} : vector<400x128xf32>, vector<128x128xf32>, vector<400x128xf32> -> vector<400x128xf32>
    %swap3A_242 = arith.constant 16 : index
    %swap3A_243 = arith.constant 0 : index
    %swap3A_244 = arith.constant 0 : index
    %swap3A_245 = vector.load %arg7[%swap3A_242, %swap3A_243, %swap3A_244] : memref<27x400x128xf32, #tpu.memory_space<vmem>>, vector<1x400x128xf32>
    %swap3A_246 = vector.shape_cast %swap3A_245 : vector<1x400x128xf32> to vector<400x128xf32>
    %swap3A_247 = vector.shape_cast %dot_general3A_241 : vector<400x128xf32> to vector<1x400x128xf32>
    tpu.vector_store %arg7[%swap3A_242, %swap3A_243, %swap3A_244], %swap3A_247 {strides = array<i32>} : memref<27x400x128xf32, #tpu.memory_space<vmem>>, vector<1x400x128xf32>,
    %get3A_248 = arith.constant 17 : index
    %get3A_249 = arith.constant 0 : index
    %get3A_250 = arith.constant 0 : index
    %get3A_251 = vector.load %arg6[%get3A_248, %get3A_249, %get3A_250] : memref<27x128x128xf32, #tpu.memory_space<vmem>>, vector<1x128x128xf32>
    %get3A_252 = vector.shape_cast %get3A_251 : vector<1x128x128xf32> to vector<128x128xf32>
    %dot_general3A_253 = arith.constant dense<0.000000e+00> : vector<400x128xf32>
    %dot_general3A_254 = tpu.matmul %mul3A_28, %get3A_252, %dot_general3A_253 {dimension_numbers = #tpu.dot_dimension_numbers<[1], [0], [0], [1], [0, 0, 1, 1], [], []>, transpose_lhs_hint = false} : vector<400x128xf32>, vector<128x128xf32>, vector<400x128xf32> -> vector<400x128xf32>
    %swap3A_255 = arith.constant 17 : index
    %swap3A_256 = arith.constant 0 : index
    %swap3A_257 = arith.constant 0 : index
    %swap3A_258 = vector.load %arg7[%swap3A_255, %swap3A_256, %swap3A_257] : memref<27x400x128xf32, #tpu.memory_space<vmem>>, vector<1x400x128xf32>
    %swap3A_259 = vector.shape_cast %swap3A_258 : vector<1x400x128xf32> to vector<400x128xf32>
    %swap3A_260 = vector.shape_cast %dot_general3A_254 : vector<400x128xf32> to vector<1x400x128xf32>
    tpu.vector_store %arg7[%swap3A_255, %swap3A_256, %swap3A_257], %swap3A_260 {strides = array<i32>} : memref<27x400x128xf32, #tpu.memory_space<vmem>>, vector<1x400x128xf32>,
    %get3A_261 = arith.constant 18 : index
    %get3A_262 = arith.constant 0 : index
    %get3A_263 = arith.constant 0 : index
    %get3A_264 = vector.load %arg6[%get3A_261, %get3A_262, %get3A_263] : memref<27x128x128xf32, #tpu.memory_space<vmem>>, vector<1x128x128xf32>
    %get3A_265 = vector.shape_cast %get3A_264 : vector<1x128x128xf32> to vector<128x128xf32>
    %dot_general3A_266 = arith.constant dense<0.000000e+00> : vector<400x128xf32>
    %dot_general3A_267 = tpu.matmul %mul3A_28, %get3A_265, %dot_general3A_266 {dimension_numbers = #tpu.dot_dimension_numbers<[1], [0], [0], [1], [0, 0, 1, 1], [], []>, transpose_lhs_hint = false} : vector<400x128xf32>, vector<128x128xf32>, vector<400x128xf32> -> vector<400x128xf32>
    %swap3A_268 = arith.constant 18 : index
    %swap3A_269 = arith.constant 0 : index
    %swap3A_270 = arith.constant 0 : index
    %swap3A_271 = vector.load %arg7[%swap3A_268, %swap3A_269, %swap3A_270] : memref<27x400x128xf32, #tpu.memory_space<vmem>>, vector<1x400x128xf32>
    %swap3A_272 = vector.shape_cast %swap3A_271 : vector<1x400x128xf32> to vector<400x128xf32>
    %swap3A_273 = vector.shape_cast %dot_general3A_267 : vector<400x128xf32> to vector<1x400x128xf32>
    tpu.vector_store %arg7[%swap3A_268, %swap3A_269, %swap3A_270], %swap3A_273 {strides = array<i32>} : memref<27x400x128xf32, #tpu.memory_space<vmem>>, vector<1x400x128xf32>,
    %get3A_274 = arith.constant 19 : index
    %get3A_275 = arith.constant 0 : index
    %get3A_276 = arith.constant 0 : index
    %get3A_277 = vector.load %arg6[%get3A_274, %get3A_275, %get3A_276] : memref<27x128x128xf32, #tpu.memory_space<vmem>>, vector<1x128x128xf32>
    %get3A_278 = vector.shape_cast %get3A_277 : vector<1x128x128xf32> to vector<128x128xf32>
    %dot_general3A_279 = arith.constant dense<0.000000e+00> : vector<400x128xf32>
    %dot_general3A_280 = tpu.matmul %mul3A_28, %get3A_278, %dot_general3A_279 {dimension_numbers = #tpu.dot_dimension_numbers<[1], [0], [0], [1], [0, 0, 1, 1], [], []>, transpose_lhs_hint = false} : vector<400x128xf32>, vector<128x128xf32>, vector<400x128xf32> -> vector<400x128xf32>
    %swap3A_281 = arith.constant 19 : index
    %swap3A_282 = arith.constant 0 : index
    %swap3A_283 = arith.constant 0 : index
    %swap3A_284 = vector.load %arg7[%swap3A_281, %swap3A_282, %swap3A_283] : memref<27x400x128xf32, #tpu.memory_space<vmem>>, vector<1x400x128xf32>
    %swap3A_285 = vector.shape_cast %swap3A_284 : vector<1x400x128xf32> to vector<400x128xf32>
    %swap3A_286 = vector.shape_cast %dot_general3A_280 : vector<400x128xf32> to vector<1x400x128xf32>
    tpu.vector_store %arg7[%swap3A_281, %swap3A_282, %swap3A_283], %swap3A_286 {strides = array<i32>} : memref<27x400x128xf32, #tpu.memory_space<vmem>>, vector<1x400x128xf32>,
    %get3A_287 = arith.constant 20 : index
    %get3A_288 = arith.constant 0 : index
    %get3A_289 = arith.constant 0 : index
    %get3A_290 = vector.load %arg6[%get3A_287, %get3A_288, %get3A_289] : memref<27x128x128xf32, #tpu.memory_space<vmem>>, vector<1x128x128xf32>
    %get3A_291 = vector.shape_cast %get3A_290 : vector<1x128x128xf32> to vector<128x128xf32>
    %dot_general3A_292 = arith.constant dense<0.000000e+00> : vector<400x128xf32>
    %dot_general3A_293 = tpu.matmul %mul3A_28, %get3A_291, %dot_general3A_292 {dimension_numbers = #tpu.dot_dimension_numbers<[1], [0], [0], [1], [0, 0, 1, 1], [], []>, transpose_lhs_hint = false} : vector<400x128xf32>, vector<128x128xf32>, vector<400x128xf32> -> vector<400x128xf32>
    %swap3A_294 = arith.constant 20 : index
    %swap3A_295 = arith.constant 0 : index
    %swap3A_296 = arith.constant 0 : index
    %swap3A_297 = vector.load %arg7[%swap3A_294, %swap3A_295, %swap3A_296] : memref<27x400x128xf32, #tpu.memory_space<vmem>>, vector<1x400x128xf32>
    %swap3A_298 = vector.shape_cast %swap3A_297 : vector<1x400x128xf32> to vector<400x128xf32>
    %swap3A_299 = vector.shape_cast %dot_general3A_293 : vector<400x128xf32> to vector<1x400x128xf32>
    tpu.vector_store %arg7[%swap3A_294, %swap3A_295, %swap3A_296], %swap3A_299 {strides = array<i32>} : memref<27x400x128xf32, #tpu.memory_space<vmem>>, vector<1x400x128xf32>,
    %get3A_300 = arith.constant 21 : index
    %get3A_301 = arith.constant 0 : index
    %get3A_302 = arith.constant 0 : index
    %get3A_303 = vector.load %arg6[%get3A_300, %get3A_301, %get3A_302] : memref<27x128x128xf32, #tpu.memory_space<vmem>>, vector<1x128x128xf32>
    %get3A_304 = vector.shape_cast %get3A_303 : vector<1x128x128xf32> to vector<128x128xf32>
    %dot_general3A_305 = arith.constant dense<0.000000e+00> : vector<400x128xf32>
    %dot_general3A_306 = tpu.matmul %mul3A_28, %get3A_304, %dot_general3A_305 {dimension_numbers = #tpu.dot_dimension_numbers<[1], [0], [0], [1], [0, 0, 1, 1], [], []>, transpose_lhs_hint = false} : vector<400x128xf32>, vector<128x128xf32>, vector<400x128xf32> -> vector<400x128xf32>
    %swap3A_307 = arith.constant 21 : index
    %swap3A_308 = arith.constant 0 : index
    %swap3A_309 = arith.constant 0 : index
    %swap3A_310 = vector.load %arg7[%swap3A_307, %swap3A_308, %swap3A_309] : memref<27x400x128xf32, #tpu.memory_space<vmem>>, vector<1x400x128xf32>
    %swap3A_311 = vector.shape_cast %swap3A_310 : vector<1x400x128xf32> to vector<400x128xf32>
    %swap3A_312 = vector.shape_cast %dot_general3A_306 : vector<400x128xf32> to vector<1x400x128xf32>
    tpu.vector_store %arg7[%swap3A_307, %swap3A_308, %swap3A_309], %swap3A_312 {strides = array<i32>} : memref<27x400x128xf32, #tpu.memory_space<vmem>>, vector<1x400x128xf32>,
    %get3A_313 = arith.constant 22 : index
    %get3A_314 = arith.constant 0 : index
    %get3A_315 = arith.constant 0 : index
    %get3A_316 = vector.load %arg6[%get3A_313, %get3A_314, %get3A_315] : memref<27x128x128xf32, #tpu.memory_space<vmem>>, vector<1x128x128xf32>
    %get3A_317 = vector.shape_cast %get3A_316 : vector<1x128x128xf32> to vector<128x128xf32>
    %dot_general3A_318 = arith.constant dense<0.000000e+00> : vector<400x128xf32>
    %dot_general3A_319 = tpu.matmul %mul3A_28, %get3A_317, %dot_general3A_318 {dimension_numbers = #tpu.dot_dimension_numbers<[1], [0], [0], [1], [0, 0, 1, 1], [], []>, transpose_lhs_hint = false} : vector<400x128xf32>, vector<128x128xf32>, vector<400x128xf32> -> vector<400x128xf32>
    %swap3A_320 = arith.constant 22 : index
    %swap3A_321 = arith.constant 0 : index
    %swap3A_322 = arith.constant 0 : index
    %swap3A_323 = vector.load %arg7[%swap3A_320, %swap3A_321, %swap3A_322] : memref<27x400x128xf32, #tpu.memory_space<vmem>>, vector<1x400x128xf32>
    %swap3A_324 = vector.shape_cast %swap3A_323 : vector<1x400x128xf32> to vector<400x128xf32>
    %swap3A_325 = vector.shape_cast %dot_general3A_319 : vector<400x128xf32> to vector<1x400x128xf32>
    tpu.vector_store %arg7[%swap3A_320, %swap3A_321, %swap3A_322], %swap3A_325 {strides = array<i32>} : memref<27x400x128xf32, #tpu.memory_space<vmem>>, vector<1x400x128xf32>,
    %get3A_326 = arith.constant 23 : index
    %get3A_327 = arith.constant 0 : index
    %get3A_328 = arith.constant 0 : index
    %get3A_329 = vector.load %arg6[%get3A_326, %get3A_327, %get3A_328] : memref<27x128x128xf32, #tpu.memory_space<vmem>>, vector<1x128x128xf32>
    %get3A_330 = vector.shape_cast %get3A_329 : vector<1x128x128xf32> to vector<128x128xf32>
    %dot_general3A_331 = arith.constant dense<0.000000e+00> : vector<400x128xf32>
    %dot_general3A_332 = tpu.matmul %mul3A_28, %get3A_330, %dot_general3A_331 {dimension_numbers = #tpu.dot_dimension_numbers<[1], [0], [0], [1], [0, 0, 1, 1], [], []>, transpose_lhs_hint = false} : vector<400x128xf32>, vector<128x128xf32>, vector<400x128xf32> -> vector<400x128xf32>
    %swap3A_333 = arith.constant 23 : index
    %swap3A_334 = arith.constant 0 : index
    %swap3A_335 = arith.constant 0 : index
    %swap3A_336 = vector.load %arg7[%swap3A_333, %swap3A_334, %swap3A_335] : memref<27x400x128xf32, #tpu.memory_space<vmem>>, vector<1x400x128xf32>
    %swap3A_337 = vector.shape_cast %swap3A_336 : vector<1x400x128xf32> to vector<400x128xf32>
    %swap3A_338 = vector.shape_cast %dot_general3A_332 : vector<400x128xf32> to vector<1x400x128xf32>
    tpu.vector_store %arg7[%swap3A_333, %swap3A_334, %swap3A_335], %swap3A_338 {strides = array<i32>} : memref<27x400x128xf32, #tpu.memory_space<vmem>>, vector<1x400x128xf32>,
    %get3A_339 = arith.constant 24 : index
    %get3A_340 = arith.constant 0 : index
    %get3A_341 = arith.constant 0 : index
    %get3A_342 = vector.load %arg6[%get3A_339, %get3A_340, %get3A_341] : memref<27x128x128xf32, #tpu.memory_space<vmem>>, vector<1x128x128xf32>
    %get3A_343 = vector.shape_cast %get3A_342 : vector<1x128x128xf32> to vector<128x128xf32>
    %dot_general3A_344 = arith.constant dense<0.000000e+00> : vector<400x128xf32>
    %dot_general3A_345 = tpu.matmul %mul3A_28, %get3A_343, %dot_general3A_344 {dimension_numbers = #tpu.dot_dimension_numbers<[1], [0], [0], [1], [0, 0, 1, 1], [], []>, transpose_lhs_hint = false} : vector<400x128xf32>, vector<128x128xf32>, vector<400x128xf32> -> vector<400x128xf32>
    %swap3A_346 = arith.constant 24 : index
    %swap3A_347 = arith.constant 0 : index
    %swap3A_348 = arith.constant 0 : index
    %swap3A_349 = vector.load %arg7[%swap3A_346, %swap3A_347, %swap3A_348] : memref<27x400x128xf32, #tpu.memory_space<vmem>>, vector<1x400x128xf32>
    %swap3A_350 = vector.shape_cast %swap3A_349 : vector<1x400x128xf32> to vector<400x128xf32>
    %swap3A_351 = vector.shape_cast %dot_general3A_345 : vector<400x128xf32> to vector<1x400x128xf32>
    tpu.vector_store %arg7[%swap3A_346, %swap3A_347, %swap3A_348], %swap3A_351 {strides = array<i32>} : memref<27x400x128xf32, #tpu.memory_space<vmem>>, vector<1x400x128xf32>,
    %get3A_352 = arith.constant 25 : index
    %get3A_353 = arith.constant 0 : index
    %get3A_354 = arith.constant 0 : index
    %get3A_355 = vector.load %arg6[%get3A_352, %get3A_353, %get3A_354] : memref<27x128x128xf32, #tpu.memory_space<vmem>>, vector<1x128x128xf32>
    %get3A_356 = vector.shape_cast %get3A_355 : vector<1x128x128xf32> to vector<128x128xf32>
    %dot_general3A_357 = arith.constant dense<0.000000e+00> : vector<400x128xf32>
    %dot_general3A_358 = tpu.matmul %mul3A_28, %get3A_356, %dot_general3A_357 {dimension_numbers = #tpu.dot_dimension_numbers<[1], [0], [0], [1], [0, 0, 1, 1], [], []>, transpose_lhs_hint = false} : vector<400x128xf32>, vector<128x128xf32>, vector<400x128xf32> -> vector<400x128xf32>
    %swap3A_359 = arith.constant 25 : index
    %swap3A_360 = arith.constant 0 : index
    %swap3A_361 = arith.constant 0 : index
    %swap3A_362 = vector.load %arg7[%swap3A_359, %swap3A_360, %swap3A_361] : memref<27x400x128xf32, #tpu.memory_space<vmem>>, vector<1x400x128xf32>
    %swap3A_363 = vector.shape_cast %swap3A_362 : vector<1x400x128xf32> to vector<400x128xf32>
    %swap3A_364 = vector.shape_cast %dot_general3A_358 : vector<400x128xf32> to vector<1x400x128xf32>
    tpu.vector_store %arg7[%swap3A_359, %swap3A_360, %swap3A_361], %swap3A_364 {strides = array<i32>} : memref<27x400x128xf32, #tpu.memory_space<vmem>>, vector<1x400x128xf32>,
    %get3A_365 = arith.constant 26 : index
    %get3A_366 = arith.constant 0 : index
    %get3A_367 = arith.constant 0 : index
    %get3A_368 = vector.load %arg6[%get3A_365, %get3A_366, %get3A_367] : memref<27x128x128xf32, #tpu.memory_space<vmem>>, vector<1x128x128xf32>
    %get3A_369 = vector.shape_cast %get3A_368 : vector<1x128x128xf32> to vector<128x128xf32>
    %dot_general3A_370 = arith.constant dense<0.000000e+00> : vector<400x128xf32>
    %dot_general3A_371 = tpu.matmul %mul3A_28, %get3A_369, %dot_general3A_370 {dimension_numbers = #tpu.dot_dimension_numbers<[1], [0], [0], [1], [0, 0, 1, 1], [], []>, transpose_lhs_hint = false} : vector<400x128xf32>, vector<128x128xf32>, vector<400x128xf32> -> vector<400x128xf32>
    %swap3A_372 = arith.constant 26 : index
    %swap3A_373 = arith.constant 0 : index
    %swap3A_374 = arith.constant 0 : index
    %swap3A_375 = vector.load %arg7[%swap3A_372, %swap3A_373, %swap3A_374] : memref<27x400x128xf32, #tpu.memory_space<vmem>>, vector<1x400x128xf32>
    %swap3A_376 = vector.shape_cast %swap3A_375 : vector<1x400x128xf32> to vector<400x128xf32>
    %swap3A_377 = vector.shape_cast %dot_general3A_371 : vector<400x128xf32> to vector<1x400x128xf32>
    tpu.vector_store %arg7[%swap3A_372, %swap3A_373, %swap3A_374], %swap3A_377 {strides = array<i32>} : memref<27x400x128xf32, #tpu.memory_space<vmem>>, vector<1x400x128xf32>,
    return
  }
  func.func @transform_0(%arg0: i32) -> (i32, i32) {
    %c0_i32 = arith.constant 0 : i32
    %c0_i32_0 = arith.constant 0 : i32
    return %arg0, %c0_i32 : i32, i32
  }
  func.func @transform_1(%arg0: i32) -> (i32, i32) {
    %c0_i32 = arith.constant 0 : i32
    %c0_i32_0 = arith.constant 0 : i32
    %c0_i32_1 = arith.constant 0 : i32
    return %c0_i32, %c0_i32_0 : i32, i32
  }
  func.func @transform_2(%arg0: i32) -> (i32, i32) {
    %c0_i32 = arith.constant 0 : i32
    %c0_i32_0 = arith.constant 0 : i32
    %c0_i32_1 = arith.constant 0 : i32
    return %c0_i32, %c0_i32_0 : i32, i32
  }
  func.func @transform_3(%arg0: i32) -> (i32, i32) {
    %c0_i32 = arith.constant 0 : i32
    %c0_i32_0 = arith.constant 0 : i32
    %c0_i32_1 = arith.constant 0 : i32
    return %c0_i32, %c0_i32_0 : i32, i32
  }
  func.func @transform_4(%arg0: i32) -> (i32, i32) {
    %c0_i32 = arith.constant 0 : i32
    %c0_i32_0 = arith.constant 0 : i32
    %c0_i32_1 = arith.constant 0 : i32
    return %c0_i32, %c0_i32_0 : i32, i32
  }
  func.func @transform_5(%arg0: i32) -> (i32, i32, i32) {
    %c0_i32 = arith.constant 0 : i32
    %c0_i32_0 = arith.constant 0 : i32
    %c0_i32_1 = arith.constant 0 : i32
    %c0_i32_2 = arith.constant 0 : i32
    return %c0_i32, %c0_i32_0, %c0_i32_1 : i32, i32, i32
  }
  func.func @transform_6(%arg0: i32) -> (i32, i32, i32) {
    %c0_i32 = arith.constant 0 : i32
    %c0_i32_0 = arith.constant 0 : i32
    %c0_i32_1 = arith.constant 0 : i32
    return %c0_i32, %arg0, %c0_i32_0 : i32, i32, i32
  }
}

</mosaic_0001>

<sc_bundles>
// kernel: kernel.5.cloned.1.call-start
scs
__scs_entry_jumppad:
0x0: {  	(pc) =	sbr.rel $0x88, $3  }
0x1: {  	(tag) =	ssettag $0x0;
	lr =	simm.s32 $0x1  }
0x2: {  	[smem:$0x3F98] =	sst lr;
	_ =	strace $0xD0000000  }
0x3: {  	_ = 	snop  }
0x4: {  	_ = 	snop  }
0x5: {  	_ = 	snop  }
0x6: {  	_ = 	snop  }
0x7: {  	_ = 	snop  }
__scs_overlays_trampoline_lowered:
0x8: {  	[smem:$0x3FA7] =	sst s0  }
0x9: {  	[smem:$0x3FA8] =	sst s1  }
0xa: {  	[smem:$0x3FA9] =	sst s2  }
0xb: {  	[smem:$0x3FAA] =	sst s3  }
0xc: {  	[smem:$0x3FAB] =	sst s4  }
0xd: {  	[smem:$0x3FAC] =	sst s5  }
0xe: {  	[smem:$0x3FAD] =	sst s6  }
0xf: {  	[smem:$0x3FAE] =	sst s7  }
0x10: {  	[smem:$0x3FAF] =	sst s8  }
0x11: {  	[smem:$0x3FB0] =	sst s9;
	s0 =	simm.s32 @!p0 $0x0  }
0x12: {  	s1 =	sld [smem:$0x3F96];
	s0 =	simm.s32 @p0 $0x1  }
0x13: {  	[smem:$0x3FB1] =	sst s0;
	s0 =	simm.s32 @!p1 $0x0  }
0x14: {  	s2 =	sld [smem:$0x3F95];
	s0 =	simm.s32 @p1 $0x1  }
0x15: {  	[smem:$0x3FB2] =	sst s0;
	s0 =	simm.s32 @!p2 $0x0  }
0x16: {  	s3 =	sld [smem:$0x3FDB];
	s0 =	simm.s32 @p2 $0x1  }
0x17: {  	s4 =	simm.s32 $0x1BF5;
	[smem:$0x3FB4] =	sst s0  }
0x18: {  	s0 =	sld [smem:$0x3F97];
	_ =	swait.ge [sflag:s4], $0x0  }
0x19: {  	s7 =	sld [smem:$0x3F98]  }
0x1a: {  	s8 =	sadd.s32 $0xFFFFE003, lr  }
0x1b: {  	s9 =	sadd.s32 $0xFFFFFEF7, lr;
	s5 =	simm.s32 $0xFFFFFFFF;
	p2 =	slt.u32 s8, $0xFFFFF086  }
0x1c: {  	p1 =	slt.u32 s9, $0xF7A;
	s5 =	simm.s32 @!p2 $0x0  }
0x1d: {  	s5 =	simm.s32 @p1 $0x1;
	p0 =	seq.s32 s7, s2  }
0x1e: {  	s7 =	smul.u32 @!p0 $0xF7A, s2;
	p2 =	seq.s32 @!p0 s5, $0x0  }
0x1f: {  	s9 =	smul.u32 $0xF7A, s1;
	s8 =	simm.s32 @!p0 $0x1BF5;
	p2 =	por !p2, p0  }
0x20: {  	[sflag:s8] =	ssyncset.s32 @!p0 $0xFFFFF086;
	s6 =	sadd.s32 @!p0 s3, s7;
	s7 =	simm.s32 @!p0 $0x108  }
0x21: {  	s3 =	sadd.s32 s3, s9;
	s6 =	sadd.s32 @!p0 $0x88, s6;
	s7 =	simm.s32 @p2 $0x1082  }
0x22: {  	[simem:s7], [sflag:s8] =	dma.local @!p0 [hbm:s6], $0xF7A  }
0x23: {  	s9 =	sor.u32 $0xD0000000, s2;
	s6 =	simm.s32 $0x108;
	_ =	swait.ge @!p0 [sflag:s8], $0x0  }
0x24: {  	s3 =	sadd.s32 $0x88, s3;
	s6 =	simm.s32 @!p1 $0x1082;
	[sflag:s4] =	ssyncset.s32 $0xFFFFF086  }
0x25: {  	[simem:s6], [sflag:s4] =	dma.local [hbm:s3], $0xF7A  }
0x26: {  	[smem:$0x3F98] =	sst s1;
	(tag) =	ssettag s2;
	_ =	strace s9  }
0x27: {  	s1 =	sld [smem:$0x3FA8]  }
0x28: {  	s2 =	sld [smem:$0x3FA9]  }
0x29: {  	s4 =	sld [smem:$0x3FAB]  }
0x2a: {  	p0 =	seq.s32 s5, $0x0;
	s5 =	sld [smem:$0x3FAC]  }
0x2b: {  	s6 =	sld [smem:$0x3FAD]  }
0x2c: {  	s7 =	sld [smem:$0x3FAE]  }
0x2d: {  	s3 =	simm.s32 $0x108;
	s8 =	sld [smem:$0x3FAF]  }
0x2e: {  	s3 =	simm.s32 @!p0 $0x1082;
	s9 =	sld [smem:$0x3FB0]  }
0x2f: {  	lr =	sadd.s32 s0, s3;
	s0 =	sld [smem:$0x3FA7]  }
0x30: {  	s3 =	sld [smem:$0x3FAA]  }
0x31: {  	[smem:$0x3FB3] =	sst s10  }
0x32: {  	s10 =	sld [smem:$0x3FB1];
	_ =	sdelay $0x3  }
0x33: {  	p0 =	seq.s32 s10, $0x1;
	s10 =	sld [smem:$0x3FB3];
	_ =	sdelay $0x3  }
0x34: {  	[smem:$0x3FB3] =	sst s10  }
0x35: {  	s10 =	sld [smem:$0x3FB2];
	_ =	sdelay $0x3  }
0x36: {  	p1 =	seq.s32 s10, $0x1;
	s10 =	sld [smem:$0x3FB3];
	_ =	sdelay $0x3  }
0x37: {  	[smem:$0x3FB3] =	sst s10  }
0x38: {  	s10 =	sld [smem:$0x3FB4]  }
0x39: {  	_ = 	snop;
	(pc) =	sbr.ind lr, $3  }
0x3a: {  	_ = 	snop  }
0x3b: {  	_ = 	snop  }
0x3c: {  	p2 =	seq.s32 s10, $0x1;
	s10 =	sld [smem:$0x3FB3]  }
0x3d: {  	_ =	shalt  }
0x3e: {  	_ =	shalt  }
0x3f: {  	_ =	shalt  }
0x40: {  	_ =	shalt  }
0x41: {  	_ =	shalt  }
0x42: {  	_ =	shalt  }
0x43: {  	_ =	shalt  }
0x44: {  	_ =	shalt  }
0x45: {  	_ =	shalt  }
0x46: {  	_ =	shalt  }
0x47: {  	_ =	shalt  }
0x48: {  	_ =	shalt  }
0x49: {  	_ =	shalt  }
0x4a: {  	_ =	shalt  }
0x4b: {  	_ =	shalt  }
0x4c: {  	_ =	shalt  }
0x4d: {  	_ =	shalt  }
0x4e: {  	_ =	shalt  }
0x4f: {  	_ =	shalt  }
0x50: {  	_ =	shalt  }
0x51: {  	_ =	shalt  }
0x52: {  	_ =	shalt  }
0x53: {  	_ =	shalt  }
0x54: {  	_ =	shalt  }
0x55: {  	_ =	shalt  }
0x56: {  	_ =	shalt  }
0x57: {  	_ =	shalt  }
0x58: {  	_ =	shalt  }
0x59: {  	_ =	shalt  }
0x5a: {  	_ =	shalt  }
0x5b: {  	_ =	shalt  }
0x5c: {  	_ =	shalt  }
0x5d: {  	_ =	shalt  }
0x5e: {  	_ =	shalt  }
0x5f: {  	_ =	shalt  }
0x60: {  	_ =	shalt  }
0x61: {  	_ =	shalt  }
0x62: {  	_ =	shalt  }
0x63: {  	_ =	shalt  }
0x64: {  	_ =	shalt  }
0x65: {  	_ =	shalt  }
0x66: {  	_ =	shalt  }
0x67: {  	_ =	shalt  }
0x68: {  	_ =	shalt  }
0x69: {  	_ =	shalt  }
0x6a: {  	_ =	shalt  }
0x6b: {  	_ =	shalt  }
0x6c: {  	_ =	shalt  }
0x6d: {  	_ =	shalt  }
0x6e: {  	_ =	shalt  }
0x6f: {  	_ =	shalt  }
0x70: {  	_ =	shalt  }
0x71: {  	_ =	shalt  }
0x72: {  	_ =	shalt  }
0x73: {  	_ =	shalt  }
0x74: {  	_ =	shalt  }
0x75: {  	_ =	shalt  }
0x76: {  	_ =	shalt  }
0x77: {  	_ =	shalt  }
0x78: {  	_ =	shalt  }
0x79: {  	_ =	shalt  }
0x7a: {  	_ =	shalt  }
0x7b: {  	_ =	shalt  }
0x7c: {  	_ =	shalt  }
0x7d: {  	_ =	shalt  }
0x7e: {  	_ =	shalt  }
0x7f: {  	_ =	shalt  }
0x80: {  	_ =	shalt  }
0x81: {  	_ =	shalt  }
0x82: {  	_ =	shalt  }
0x83: {  	_ =	shalt  }
0x84: {  	_ =	shalt  }
0x85: {  	_ =	shalt  }
0x86: {  	_ =	shalt  }
0x87: {  	_ =	shalt  }
.Lfunc_end0:
.L_simem_size_0:
called_computation_lowered:
.L_overlay_start_0:
0x88: {  	s2 =	sld [smem:$0x3FD9]  }
0x89: {  	s3 =	sld [smem:$0x3FFE];
	_ =	sdelay $0x1  }
0x8a: {  	s1 =	srdreg.scid  }
0x8b: {  	s0 =	sand.u32 $0x1, s1  }
0x8c: {  	s17 =	sshll.u32 s0, $0xA;
	s2 =	sadd.s32 s3, s2  }
0x8d: {  	s2 =	sadd.s32 s2, s17  }
0x8e: {  	[smem:$0x3FBF] =	sst s2  }
0x8f: {  	_ = 	snop  }
0x90: {  	s2 =	sld [smem:$0x3FC7]  }
0x91: {  	s18 =	sld [smem:$0x3FD0];
	(tm) =	ssettm $0x1  }
0x92: {  	s4 =	sld [smem:$0x3FFB];
	_ =	sdelay $0x3  }
0x93: {  	_ =	strace s4  }
0x94: {  	s4 =	sld [smem:$0x3FFC];
	_ =	sdelay $0x3  }
0x95: {  	_ =	strace s4  }
0x96: {  	s4 =	sld [smem:$0x3FFD];
	_ =	sdelay $0x3  }
0x97: {  	_ =	strace s4  }
0x98: {  	_ =	strace $0x8FFFFFFF  }
0x99: {  	s19 =	sld [smem:$0x3FDB];
	_ =	sdelay $0x1  }
0x9a: {  	s5 =	simm.s32 $_scs_section_size  }
0x9b: {  	s6 =	simm.s32 $_size__tile_overlayer_lowered;
	s7 =	simm.s32 $_tile_overlayer_lowered  }
0x9c: {  	s22 =	simm.s32 $0x1BFF;
	s21 =	sshll.u32 s7, $0x1;
	s4 =	sadd.s32 s5, s19  }
0x9d: {  	s8 =	simm.s32 $0x0;
	s20 =	sshll.u32 s6, $0x1;
	s6 =	sadd.s32 s21, s4  }
0x9e: {  	[timem:s8], [sflag:s22] =	dma.local [hbm:s6], s20  }
0x9f: {  	_ =	swait.ge [sflag:s22], s20  }
0xa0: {  	s5 =	ssub.s32 $0x0, s20;
	[sflag:s22] =	ssyncset.done $0x0  }
0xa1: {  	[sflag:s22] =	ssyncadd.s32 s5;
	_ =	sdelay $0x1  }
0xa2: {  	s23 =	simm.s32 $0x1B8B  }
0xa3: {  	_ =	swait.ge [sflag:s23], $0x1  }
0xa4: {  	[sflag:s23] =	ssyncset.done $0x0  }
0xa5: {  	s25 =	simm.s32 $0x1B8E;
	s24 =	sld [smem:$0x3FFE];
	[sflag:s23] =	ssyncadd.s32 $0xFFFFFFFF  }
0xa6: {  	s26 =	simm.s32 $execute0_lowered;
	[smem:$0x3FD2] =	sst s25  }
0xa7: {  	s6 =	sshll.u32 s26, $0x1;
	_ =	strace $0x80000046;
	[dreg:$0x1] =	wrdreg $0xFFFFFFFF  }
0xa8: {  	s28 =	simm.s32 $_size_execute0_lowered;
	s4 =	sadd.s32 s4, s6;
	[dreg:$0x0] =	wrdreg $0x0  }
0xa9: {  	s6 =	sshll.u32 s28, $0x1;
	[dreg:$0x2] =	wrdreg s4  }
0xaa: {  	[dreg:$0x3] =	wrdreg s6  }
0xab: {  	[dreg:$0x4] =	wrdreg $0xC0  }
0xac: {  	_ =	task [dreg:s8], $0x5FFFF  }
0xad: {  	[dreg:$0x1] =	wrdreg $0xFFFFFFFF  }
0xae: {  	[dreg:$0x0] =	wrdreg $0x60  }
0xaf: {  	[dreg:$0x2] =	wrdreg s24  }
0xb0: {  	[dreg:$0x3] =	wrdreg s2  }
0xb1: {  	[dreg:$0x4] =	wrdreg s18  }
0xb2: {  	[dreg:$0x5] =	wrdreg $0xA1000  }
0xb3: {  	[dreg:$0x6] =	wrdreg $0x9  }
0xb4: {  	_ =	task.clear_ibuf [dreg:s8], $0x7FFFF;
	_ =	strace $0x90000046  }
0xb5: {  	s29 =	simm.s32 $0x9;
	_ =	strace $0x80000048  }
0xb6: {  	_ =	swait.ge [sflag:s29], $0x1  }
0xb7: {  	[sflag:s29] =	ssyncadd.s32 $0xFFFFFFFF  }
0xb8: {  	_ =	strace $0x90000048  }
0xb9: {  	_ =	sfence  }
0xba: {  	s30 =	sld [smem:$0x0];
	_ =	sdelay $0x2  }
0xbb: {  	s31 =	sshll.u32 s1, $0xD;
	s1 =	sshrl.u32 s1, $0x2  }
0xbc: {  	s3 =	sand.u32 $0x4000, s31;
	s1 =	sadd.s32 s1, s30  }
0xbd: {  	s0 =	sor.u32 s3, s0;
	s1 =	sshll.u32 s1, $0x11  }
0xbe: {  	s0 =	sor.u32 s1, s0  }
0xbf: {  	s0 =	sadd.s32 $0x8F2B, s0  }
0xc0: {  	[sflag:s0] =	ssyncadd.remote.s32 $0x1  }
0xc1: {  	_ =	sfence.sel $0xFFFF  }
0xc2: {  	[dreg:$0x0] =	wrdreg $0xFFFFFFFF;
	(pc) =	sbr.abs _section_cstart, $3  }
0xc3: {  	[dreg:$0x1] =	wrdreg $0xFFFFFFFF  }
0xc4: {  	_ =	task.clear_ibuf [dreg:s8], $0x2FFFF;
	_ =	strace $0x9FFFFFFF  }
0xc5: {  	(tm) =	ssettm $0x7FFFFFFF  }
tec
execute0_lowered:
.L_overlay_start_1:
0x0: {  	(tag) =	ssettag $0x1  }
0x1: {  	s22 =	stileid.u32  }
0x2: {  	s9 =	smul.u32 $0x500, s22  }
0x3: {  	s8 =	sor.u32 $0x10, s22;
	s21 =	smul.u32 $0x50, s22  }
0x4: {  	s6 =	sor.u32 $0x20, s22;
	s10 =	smul.u32 $0x500, s8  }
0x5: {  	s7 =	sor.u32 $0x30, s22;
	s11 =	smul.u32 $0x500, s6  }
0x6: {  	s5 =	sor.u32 $0x40, s22;
	s12 =	smul.u32 $0x500, s7  }
0x7: {  	s4 =	sor.u32 $0x50, s22;
	s13 =	smul.u32 $0x500, s5  }
0x8: {  	s2 =	sor.u32 $0x60, s22;
	s14 =	smul.u32 $0x500, s4  }
0x9: {  	s0 =	srdreg.scid;
	s3 =	sor.u32 $0x70, s22;
	s15 =	smul.u32 $0x500, s2  }
0xa: {  	s17 =	sand.u32 $0x1, s0;
	s18 =	smul.u32 $0x500, s3  }
0xb: {  	s19 =	smul.u32 $0x2710, s17  }
0xc: {  	s25 =	smul.u32 $0x50, s7  }
0xd: {  	s16 =	rddreg [dreg:$0x2];
	s1 =	simm.s32 $0x0;
	s29 =	smul.u32 $0x50, s5  }
0xe: {  	[smem:$0x7FF] =	sst s1;
	s0 =	ssub.s32 $0x2, s17;
	s7 =	smul.u32 $0xA000, s7  }
0xf: {  	s5 =	smul.u32 $0xA000, s5;
	s20 =	sshrl.u32 s0, $0x1;
	s9 =	sadd.s32 s16, s9  }
0x10: {  	s0 =	ssub.s32 s0, s20;
	[dreg:$0x5] =	wrdreg s9;
	s9 =	smul.u32 $0x50, s8  }
0x11: {  	s10 =	sadd.s32 s16, s10;
	s11 =	sadd.s32 s16, s11;
	s20 =	smul.u32 $0x50, s6  }
0x12: {  	s23 =	sadd.s32 s16, s12;
	s24 =	sadd.s32 s16, s13;
	s26 =	sadd.s32 s16, s14  }
0x13: {  	s28 =	sadd.s32 s16, s15;
	s30 =	sadd.s32 s16, s18;
	s16 =	smul.u32 $0x50, s4  }
0x14: {  	s18 =	smul.u32 $0x50, s2;
	[dreg:$0x6] =	wrdreg s10  }
0x15: {  	s12 =	sadd.s32 s19, s29;
	s29 =	smul.u32 $0x27100, s17;
	[dreg:$0x7] =	wrdreg s11  }
0x16: {  	s8 =	smul.u32 $0xA000, s8;
	[dreg:$0x8] =	wrdreg s23  }
0x17: {  	p0 =	sgt.u32 s22, $0xC;
	s6 =	smul.u32 $0xA000, s6;
	[dreg:$0x9] =	wrdreg s24  }
0x18: {  	s31 =	sadd.s32 s21, s19;
	s4 =	smul.u32 $0xA000, s4;
	[dreg:$0xa] =	wrdreg s26  }
0x19: {  	s21 =	sshll.u32 s17, $0x4;
	s2 =	smul.u32 $0xA000, s2;
	[dreg:$0xb] =	wrdreg s28  }
0x1a: {  	s5 =	sshrl.u32 s5, $0x2;
	[dreg:$0xc] =	wrdreg s30;
	s11 =	sadd.s32 s19, s25  }
0x1b: {  	s13 =	sshll.u32 s31, $0x4;
	s25 =	sshll.u32 s12, $0x4;
	s31 =	rddreg [dreg:$0x1]  }
0x1c: {  	s0 =	smax.u32 s0, $0x1;
	s9 =	sadd.s32 s19, s9;
	s10 =	sadd.s32 s19, s20  }
0x1d: {  	s20 =	smul.u32 $0x50, s3;
	s14 =	sadd.s32 s19, s16;
	s15 =	sadd.s32 s19, s18  }
0x1e: {  	s18 =	sor.u32 s22, s21;
	s24 =	sshll.u32 s11, $0x4;
	s8 =	sshrl.u32 s8, $0x2  }
0x1f: {  	s6 =	sshrl.u32 s6, $0x2;
	s3 =	smul.u32 $0xA000, s3;
	s4 =	sshrl.u32 s4, $0x2  }
0x20: {  	s2 =	sshrl.u32 s2, $0x2;
	s11 =	simm.s32 $0x4F80;
	s9 =	sshll.u32 s9, $0x4  }
0x21: {  	s10 =	sshll.u32 s10, $0x4;
	s26 =	sshll.u32 s14, $0x4;
	s30 =	sshll.u32 s15, $0x4  }
0x22: {  	s16 =	sadd.s32 s19, s20;
	s19 =	rddreg [dreg:$0x0];
	s20 =	smul.u32 $0x2710, s18  }
0x23: {  	s18 =	rddreg [dreg:$0x3];
	s21 =	sadd.s32 $0x433400, s19;
	s14 =	sshll.u32 s16, $0x4  }
0x24: {  	s16 =	smul.u32 $0xA000, s22;
	s8 =	sadd.s32 s8, s18;
	s6 =	sadd.s32 s6, s18  }
0x25: {  	s5 =	sadd.s32 s5, s18;
	s4 =	sadd.s32 s4, s18;
	s13 =	sadd.s32 s21, s13  }
0x26: {  	s2 =	sadd.s32 s2, s18;
	s9 =	sadd.s32 s21, s9;
	[dreg:$0xd] =	wrdreg s13  }
0x27: {  	s23 =	sadd.s32 s21, s10;
	s28 =	sadd.s32 s21, s26;
	[dreg:$0xe] =	wrdreg s9  }
0x28: {  	s10 =	sadd.s32 s21, s30;
	s15 =	sshrl.u32 s20, $0x3;
	[dreg:$0xf] =	wrdreg s23  }
0x29: {  	s20 =	sadd.s32 $0x14800, s19;
	s9 =	sadd.s32 s21, s24;
	[dreg:$0x12] =	wrdreg s28  }
0x2a: {  	s13 =	smul.u32 $0x2710, s22;
	[dreg:$0x13] =	wrdreg s10;
	s10 =	sadd.s32 s21, s14  }
0x2b: {  	s17 =	sadd.s32 s15, s19;
	s12 =	sshrl.u32 s16, $0x2;
	[dreg:$0x10] =	wrdreg s9  }
0x2c: {  	s23 =	sshll.u32 s22, $0x6;
	s9 =	sadd.s32 s21, s25;
	[dreg:$0x14] =	wrdreg s10  }
0x2d: {  	s24 =	sshrl.u32 s7, $0x2;
	s12 =	sadd.s32 s12, s18;
	[dreg:$0x11] =	wrdreg s9  }
0x2e: {  	s7 =	simm.s32 $0x50;
	_ =	strace $0x80000047;
	[dreg:$0x15] =	wrdreg s12  }
0x2f: {  	s14 =	simm.s32 $0x1;
	s22 =	simm.s32 $0x0;
	[dreg:$0x16] =	wrdreg s8  }
0x30: {  	s21 =	sadd.s32 $0xC00, s19;
	s23 =	sor.u32 $0x1C05, s23;
	[dreg:$0x17] =	wrdreg s6  }
0x31: {  	s25 =	sshrl.u32 s3, $0x2;
	s26 =	sadd.s32 $0xAA00, s17;
	[dreg:$0x19] =	wrdreg s5  }
0x32: {  	s10 =	simm.s32 $0x5000;
	s17 =	simm.s32 $0x2;
	[dreg:$0x1a] =	wrdreg s4  }
0x33: {  	s19 =	simm.s32 $0x4;
	s9 =	sadd.s32 s13, s29;
	[dreg:$0x1b] =	wrdreg s2  }
0x34: {  	s29 =	sadd.s32 s31, s15;
	s30 =	sadd.s32 s21, s15;
	[dreg:$0x1d] =	wrdreg s26  }
0x35: {  	s13 =	simm.s32 $0x5080;
	s15 =	simm.s32 $0x3;
	[dreg:$0x1e] =	wrdreg s29  }
0x36: {  	s6 =	sadd.s32 s24, s18;
	s2 =	sadd.s32 s25, s18;
	[dreg:$0x1f] =	wrdreg s30  }
0x37: {  	s28 =	sadd.s32 $0x50, s9;
	[smem:$0x7FC] =	sst s0;
	s5 =	sadd.s32 $0xA0, s9  }
0x38: {  	s8 =	simm.s32 $0x4F00;
	[dreg:$0x1c] =	wrdreg s2;
	s2 =	sshrl.u32 s28, $0x3  }
0x39: {  	s9 =	simm.s32 $0x5100;
	[dreg:$0x18] =	wrdreg s6;
	s31 =	sadd.s32 s2, s21  }
0x3a: {  	s12 =	simm.s32 $0x7900;
	s6 =	simm.s32 $0x5;
	[smem:$0x7FD] =	sst s31  }
.LBB2_1:
0x3b: {  	s0 =	rddreg [dreg:$0x15]  }
0x3c: {  	s16 =	rddreg [dreg:$0x5];
	s2 =	sshrl.u32 s0, $0x3  }
0x3d: {  	[smem:$0x7FA] =	sst s2  }
0x3e: {  	[spmem:s2], [sflag:s23] =	dma.local [hbm:s16], $0x500  }
0x3f: {  	_ =	swait.ge [sflag:s6], $0x500  }
0x40: {  	s24 =	rddreg [dreg:$0x16]  }
0x41: {  	[sflag:s6] =	ssyncset.done $0x0;
	s26 =	rddreg [dreg:$0x6];
	s25 =	sshrl.u32 s24, $0x3  }
0x42: {  	[sflag:s6] =	ssyncadd.s32 $0xFFFFFB00;
	[smem:$0x7FB] =	sst s25  }
0x43: {  	[spmem:s25], [sflag:s23] =	dma.local [hbm:s26], $0x500  }
0x44: {  	_ =	swait.ge [sflag:s6], $0x500  }
0x45: {  	[sflag:s6] =	ssyncset.done $0x0;
	s3 =	rddreg [dreg:$0x17]  }
0x46: {  	s4 =	rddreg [dreg:$0x7];
	[sflag:s6] =	ssyncadd.s32 $0xFFFFFB00;
	s26 =	sshrl.u32 s3, $0x3  }
0x47: {  	[spmem:s26], [sflag:s23] =	dma.local [hbm:s4], $0x500  }
0x48: {  	_ =	swait.ge [sflag:s6], $0x500  }
0x49: {  	[sflag:s6] =	ssyncset.done $0x0;
	s16 =	rddreg [dreg:$0x18]  }
0x4a: {  	s24 =	rddreg [dreg:$0x8];
	[sflag:s6] =	ssyncadd.s32 $0xFFFFFB00;
	s28 =	sshrl.u32 s16, $0x3  }
0x4b: {  	[spmem:s28], [sflag:s23] =	dma.local [hbm:s24], $0x500  }
0x4c: {  	_ =	swait.ge [sflag:s6], $0x500  }
0x4d: {  	[sflag:s6] =	ssyncset.done $0x0;
	s25 =	rddreg [dreg:$0x19]  }
0x4e: {  	s2 =	rddreg [dreg:$0x9];
	[sflag:s6] =	ssyncadd.s32 $0xFFFFFB00;
	s29 =	sshrl.u32 s25, $0x3  }
0x4f: {  	[spmem:s29], [sflag:s23] =	dma.local [hbm:s2], $0x500  }
0x50: {  	_ =	swait.ge [sflag:s6], $0x500  }
0x51: {  	[sflag:s6] =	ssyncset.done $0x0;
	s3 =	rddreg [dreg:$0x1a]  }
0x52: {  	s4 =	rddreg [dreg:$0xa];
	[sflag:s6] =	ssyncadd.s32 $0xFFFFFB00;
	s30 =	sshrl.u32 s3, $0x3  }
0x53: {  	[spmem:s30], [sflag:s23] =	dma.local [hbm:s4], $0x500  }
0x54: {  	_ =	swait.ge [sflag:s6], $0x500  }
0x55: {  	[sflag:s6] =	ssyncset.done $0x0;
	s16 =	rddreg [dreg:$0x1b]  }
0x56: {  	s24 =	rddreg [dreg:$0xb];
	[sflag:s6] =	ssyncadd.s32 $0xFFFFFB00;
	s31 =	sshrl.u32 s16, $0x3  }
0x57: {  	[spmem:s31], [sflag:s23] =	dma.local [hbm:s24], $0x500  }
0x58: {  	_ =	swait.ge [sflag:s6], $0x500  }
0x59: {  	[sflag:s6] =	ssyncset.done $0x0;
	s0 =	rddreg [dreg:$0x1c]  }
0x5a: {  	[sflag:s6] =	ssyncadd.s32 $0xFFFFFB00;
	s16 =	sshrl.u32 @!p0 s0, $0x3;
	s0 =	rddreg [dreg:$0xc]  }
0x5b: {  	[spmem:s16], [sflag:s23] =	dma.local @!p0 [hbm:s0], $0x500  }
0x5c: {  	s0 =	simm.s32 @!p0 $0x5  }
0x5d: {  	_ =	swait.ge @!p0 [sflag:s0], $0x500  }
0x5e: {  	[sflag:s0] =	ssyncset.done @!p0 $0x0  }
0x5f: {  	s25 =	rddreg [dreg:$0x1d];
	[sflag:s0] =	ssyncadd.s32 @!p0 $0xFFFFFB00  }
0x60: {  	[tilespmem:s1], [sflag:$0x5] =	stream.linear.gather [hbm4b:s25+s1], $0x2710, $0x38;
	[tilespmem:$0x1D980] =	vst v63  }
0x61: {  	_ =	swait.ge [sflag:s6], $0x2710  }
0x62: {  	[sflag:s6] =	ssyncset.done $0x0  }
0x63: {  	s3 =	simm.s32 $0x2780;
	s2 =	rddreg [dreg:$0x1e];
	[sflag:s6] =	ssyncadd.s32 $0xFFFFD8F0  }
0x64: {  	[tilespmem:s3], [sflag:$0x5] =	stream.linear.gather [hbm4b:s2+s1], $0x2710, $0x38;
	[tilespmem:$0x1D980] =	vst v63  }
0x65: {  	_ =	swait.ge [sflag:s6], $0x2710  }
0x66: {  	[sflag:s6] =	ssyncset.done $0x0  }
0x67: {  	[sflag:s6] =	ssyncadd.s32 $0xFFFFD8F0  }
0x68: {  	[bflag:$0x0] =	sbarrier.arrive $0xFFFF  }
0x69: {  	v0 =	vld [tilespmem:$0x0]  }
0x6a: {  	v1 =	vld [tilespmem:$0x2780]  }
0x6b: {  	v2 =	vld [tilespmem:$0x10]  }
0x6c: {  	v3 =	vld [tilespmem:$0x2790]  }
0x6d: {  	v4 =	vld [tilespmem:$0x20]  }
0x6e: {  	v5 =	vld [tilespmem:$0x27A0]  }
0x6f: {  	v6 =	vld [tilespmem:$0x27B0]  }
0x70: {  	v7 =	vld [tilespmem:$0x27C0]  }
0x71: {  	v8 =	vld [tilespmem:$0x30];
	v1 =	vmul.u32 $0x2710, v1  }
0x72: {  	v9 =	vld [tilespmem:$0x40];
	v3 =	vmul.u32 $0x2710, v3  }
0x73: {  	v46 =	vmul.u32 $0x2710, v5;
	v0 =	vadd.s32 v0, v1  }
0x74: {  	v48 =	vmul.u32 $0x2710, v6;
	v47 =	vadd.s32 v2, v3;
	[tilespmem:$0x4F00] =	vst v0  }
0x75: {  	v50 =	vmul.u32 $0x2710, v7;
	v49 =	vadd.s32 v4, v46;
	[tilespmem:$0x4F10] =	vst v47  }
0x76: {  	v51 =	vadd.s32 v8, v48;
	[tilespmem:$0x4F20] =	vst v49  }
0x77: {  	v52 =	vadd.s32 v9, v50;
	[tilespmem:$0x4F30] =	vst v51  }
0x78: {  	[tilespmem:$0x4F40] =	vst v52  }
0x79: {  	[tilespmem:s9], [sflag:$0x1] =	stream.indirect.gather [hbm4b:s20+s7], $0x80, s8, s7, $0xb8;
	[tilespmem:$0x1D980] =	vst v63  }
0x7a: {  	s0 =	simm.s32 $0x27F0;
	s4 =	rddreg [dreg:$0x1f]  }
0x7b: {  	[tilespmem:s10], [sflag:$0x3] =	stream.linear.gather [hbm4b:s4+s1], $0x50, $0x38;
	[tilespmem:$0x1D980] =	vst v63  }
0x7c: {  	v0 =	vld [tilespmem:s0+$0xFFFFFFE0]  }
0x7d: {  	s24 =	simm.s32 $0x70  }
0x7e: {  	v53 =	vld [tilespmem:s24+$0xFFFFFFE0];
	_ =	sdelay $0x2  }
0x7f: {  	v0 =	vmul.u32 $0x2710, v0;
	_ =	sdelay $0x1  }
0x80: {  	v0 =	vadd.s32 v53, v0  }
0x81: {  	[tilespmem:$0x4F80] =	vst v0  }
0x82: {  	v0 =	vld [tilespmem:s0+$0xFFFFFFF0];
	_ =	sdelay $0x1  }
0x83: {  	v54 =	vld [tilespmem:s24+$0xFFFFFFF0];
	_ =	sdelay $0x2  }
0x84: {  	v0 =	vmul.u32 $0x2710, v0;
	_ =	sdelay $0x1  }
0x85: {  	v0 =	vadd.s32 v54, v0  }
0x86: {  	[tilespmem:$0x4F90] =	vst v0  }
0x87: {  	v0 =	vld [tilespmem:s0+$0x0];
	_ =	sdelay $0x1  }
0x88: {  	v55 =	vld [tilespmem:s24+$0x0];
	_ =	sdelay $0x2  }
0x89: {  	v0 =	vmul.u32 $0x2710, v0;
	_ =	sdelay $0x1  }
0x8a: {  	v0 =	vadd.s32 v55, v0  }
0x8b: {  	s3 =	sand.u32 $0x3FE0, s1;
	[tilespmem:$0x4FA0] =	vst v0  }
0x8c: {  	v0 =	vld [tilespmem:s3+$0x2800];
	_ =	sdelay $0x1  }
0x8d: {  	v56 =	vld [tilespmem:s3+$0x80];
	_ =	sdelay $0x2  }
0x8e: {  	v0 =	vmul.u32 $0x2710, v0;
	_ =	sdelay $0x1  }
0x8f: {  	v0 =	vadd.s32 v56, v0  }
0x90: {  	[tilespmem:$0x4FB0] =	vst v0  }
0x91: {  	v0 =	vld [tilespmem:s0+$0x20];
	_ =	sdelay $0x1  }
0x92: {  	v57 =	vld [tilespmem:s24+$0x20];
	_ =	sdelay $0x2  }
0x93: {  	v0 =	vmul.u32 $0x2710, v0;
	_ =	sdelay $0x1  }
0x94: {  	v0 =	vadd.s32 v57, v0  }
0x95: {  	s4 =	sld [smem:$0x7FD];
	[tilespmem:$0x4FC0] =	vst v0  }
0x96: {  	[tilespmem:s12], [sflag:$0x2] =	stream.indirect.gather [hbm4b:s20+s7], $0x80, s11, s7, $0xb8;
	[tilespmem:$0x1D980] =	vst v63  }
0x97: {  	_ = 	snop  }
0x98: {  	[tilespmem:s13], [sflag:$0x4] =	stream.linear.gather [hbm4b:s4+s1], $0x50, $0x38;
	[tilespmem:$0x1D980] =	vst v63  }
0x99: {  	_ =	swait.ge [sflag:s14], $0x2800  }
0x9a: {  	[sflag:s14] =	ssyncset.done $0x0  }
0x9b: {  	[sflag:s14] =	ssyncadd.s32 $0xFFFFD800  }
0x9c: {  	_ =	swait.ge [sflag:s15], $0x50  }
0x9d: {  	[sflag:s15] =	ssyncset.done $0x0  }
0x9e: {  	[sflag:s15] =	ssyncadd.s32 $0xFFFFFFB0  }
0x9f: {  	[spmem:s18] =	stream.indirect.scatter.add.f32 [tilespmem:s9], [sflag:$0x5], $0x80, s10, s7, $0xb8;
	[tilespmem:$0x1D980] =	vst v63  }
0xa0: {  	_ =	swait.ge [sflag:s6], $0x2800  }
0xa1: {  	[sflag:s6] =	ssyncset.done $0x0  }
0xa2: {  	[sflag:s6] =	ssyncadd.s32 $0xFFFFD800  }
0xa3: {  	v58 =	vld [tilespmem:s0+$0x30];
	_ =	sdelay $0x1  }
0xa4: {  	v59 =	vld [tilespmem:s24+$0x30];
	_ =	sdelay $0x2  }
0xa5: {  	v0 =	vmul.u32 $0x2710, v58;
	_ =	sdelay $0x1  }
0xa6: {  	v0 =	vadd.s32 v59, v0  }
0xa7: {  	[tilespmem:$0x4F00] =	vst v0  }
0xa8: {  	v0 =	vld [tilespmem:s0+$0x40];
	_ =	sdelay $0x1  }
0xa9: {  	v60 =	vld [tilespmem:s24+$0x40];
	_ =	sdelay $0x2  }
0xaa: {  	v0 =	vmul.u32 $0x2710, v0;
	_ =	sdelay $0x1  }
0xab: {  	v0 =	vadd.s32 v60, v0  }
0xac: {  	[tilespmem:$0x4F10] =	vst v0  }
0xad: {  	v0 =	vld [tilespmem:s0+$0x50];
	_ =	sdelay $0x1  }
0xae: {  	v61 =	vld [tilespmem:s24+$0x50];
	_ =	sdelay $0x2  }
0xaf: {  	v0 =	vmul.u32 $0x2710, v0;
	_ =	sdelay $0x1  }
0xb0: {  	v0 =	vadd.s32 v61, v0  }
0xb1: {  	[tilespmem:$0x4F20] =	vst v0  }
0xb2: {  	v0 =	vld [tilespmem:s0+$0x60];
	_ =	sdelay $0x1  }
0xb3: {  	v62 =	vld [tilespmem:s24+$0x60];
	_ =	sdelay $0x2  }
0xb4: {  	v0 =	vmul.u32 $0x2710, v0;
	_ =	sdelay $0x1  }
0xb5: {  	v0 =	vadd.s32 v62, v0  }
0xb6: {  	[tilespmem:$0x4F30] =	vst v0  }
0xb7: {  	v0 =	vld [tilespmem:s0+$0x70];
	_ =	sdelay $0x1  }
0xb8: {  	v63 =	vld [tilespmem:s24+$0x70];
	_ =	sdelay $0x2  }
0xb9: {  	v0 =	vmul.u32 $0x2710, v0;
	_ =	sdelay $0x1  }
0xba: {  	s25 =	sadd.s32 $0x0, s5;
	v0 =	vadd.s32 v63, v0  }
0xbb: {  	s2 =	sshrl.u32 s25, $0x3;
	[tilespmem:$0x4F40] =	vst v0  }
0xbc: {  	[tilespmem:s9], [sflag:$0x1] =	stream.indirect.gather [hbm4b:s20+s7], $0x80, s8, s7, $0xb8;
	[tilespmem:$0x1D980] =	vst v63  }
0xbd: {  	s2 =	sadd.s32 s21, s2  }
0xbe: {  	[tilespmem:s10], [sflag:$0x3] =	stream.linear.gather [hbm4b:s2+s1], $0x50, $0x38;
	[tilespmem:$0x1D980] =	vst v63  }
0xbf: {  	_ =	swait.ge [sflag:s17], $0x2800  }
0xc0: {  	[sflag:s17] =	ssyncset.done $0x0  }
0xc1: {  	[sflag:s17] =	ssyncadd.s32 $0xFFFFD800  }
0xc2: {  	_ =	swait.ge [sflag:s19], $0x50  }
0xc3: {  	[sflag:s19] =	ssyncset.done $0x0  }
0xc4: {  	[sflag:s19] =	ssyncadd.s32 $0xFFFFFFB0  }
0xc5: {  	[spmem:s18] =	stream.indirect.scatter.add.f32 [tilespmem:s12], [sflag:$0x5], $0x80, s13, s7, $0xb8;
	[tilespmem:$0x1D980] =	vst v63  }
0xc6: {  	s3 =	simm.s32 $0x110;
	s2 =	simm.s32 $0xA0;
	_ =	swait.ge [sflag:s6], $0x2800  }
.LBB2_2:
0xc7: {  	[sflag:s6] =	ssyncset.done $0x0  }
0xc8: {  	s4 =	sadd.s32 $0x14, s4;
	s0 =	sadd.s32 $0xA0, s0;
	s24 =	smov.u32 s2  }
0xc9: {  	p1 =	sne.s32 s2, $0x2620;
	s2 =	sadd.s32 $0xA0, s2;
	[sflag:s6] =	ssyncadd.s32 $0xFFFFD800  }
0xca: {  	v0 =	vld [tilespmem:s0+$0xFFFFFFE0]  }
0xcb: {  	v1 =	vld [tilespmem:s3+$0xFFFFFFE0];
	_ =	sdelay $0x3  }
0xcc: {  	v0 =	vmul.u32 $0x2710, v0;
	_ =	sdelay $0x1  }
0xcd: {  	v0 =	vadd.s32 v1, v0  }
0xce: {  	[tilespmem:$0x4F80] =	vst v0  }
0xcf: {  	v0 =	vld [tilespmem:s0+$0xFFFFFFF0]  }
0xd0: {  	v1 =	vld [tilespmem:s3+$0xFFFFFFF0];
	_ =	sdelay $0x3  }
0xd1: {  	v0 =	vmul.u32 $0x2710, v0;
	_ =	sdelay $0x1  }
0xd2: {  	v0 =	vadd.s32 v1, v0  }
0xd3: {  	[tilespmem:$0x4F90] =	vst v0  }
0xd4: {  	v0 =	vld [tilespmem:s0+$0x0]  }
0xd5: {  	v1 =	vld [tilespmem:s3+$0x0];
	_ =	sdelay $0x3  }
0xd6: {  	v0 =	vmul.u32 $0x2710, v0;
	_ =	sdelay $0x1  }
0xd7: {  	s25 =	sand.u32 $0x3FE0, s24;
	v0 =	vadd.s32 v1, v0  }
0xd8: {  	[tilespmem:$0x4FA0] =	vst v0  }
0xd9: {  	v0 =	vld [tilespmem:s25+$0x2800]  }
0xda: {  	v1 =	vld [tilespmem:s25+$0x80];
	_ =	sdelay $0x3  }
0xdb: {  	v0 =	vmul.u32 $0x2710, v0;
	_ =	sdelay $0x1  }
0xdc: {  	v0 =	vadd.s32 v1, v0  }
0xdd: {  	[tilespmem:$0x4FB0] =	vst v0  }
0xde: {  	v0 =	vld [tilespmem:s0+$0x20]  }
0xdf: {  	v1 =	vld [tilespmem:s3+$0x20];
	_ =	sdelay $0x3  }
0xe0: {  	v0 =	vmul.u32 $0x2710, v0;
	_ =	sdelay $0x1  }
0xe1: {  	v0 =	vadd.s32 v1, v0  }
0xe2: {  	[tilespmem:$0x4FC0] =	vst v0  }
0xe3: {  	[tilespmem:s12], [sflag:$0x2] =	stream.indirect.gather [hbm4b:s20+s7], $0x80, s11, s7, $0xb8;
	[tilespmem:$0x1D980] =	vst v63  }
0xe4: {  	_ = 	snop  }
0xe5: {  	[tilespmem:s13], [sflag:$0x4] =	stream.linear.gather [hbm4b:s4+s1], $0x50, $0x38;
	[tilespmem:$0x1D980] =	vst v63  }
0xe6: {  	_ =	swait.ge [sflag:s14], $0x2800  }
0xe7: {  	[sflag:s14] =	ssyncset.done $0x0  }
0xe8: {  	[sflag:s14] =	ssyncadd.s32 $0xFFFFD800  }
0xe9: {  	_ =	swait.ge [sflag:s15], $0x50  }
0xea: {  	[sflag:s15] =	ssyncset.done $0x0  }
0xeb: {  	[sflag:s15] =	ssyncadd.s32 $0xFFFFFFB0  }
0xec: {  	[spmem:s18] =	stream.indirect.scatter.add.f32 [tilespmem:s9], [sflag:$0x5], $0x80, s10, s7, $0xb8;
	[tilespmem:$0x1D980] =	vst v63  }
0xed: {  	_ =	swait.ge [sflag:s6], $0x2800  }
0xee: {  	[sflag:s6] =	ssyncset.done $0x0  }
0xef: {  	[sflag:s6] =	ssyncadd.s32 $0xFFFFD800  }
0xf0: {  	v0 =	vld [tilespmem:s0+$0x30]  }
0xf1: {  	v1 =	vld [tilespmem:s3+$0x30];
	_ =	sdelay $0x3  }
0xf2: {  	v0 =	vmul.u32 $0x2710, v0;
	_ =	sdelay $0x1  }
0xf3: {  	v0 =	vadd.s32 v1, v0  }
0xf4: {  	[tilespmem:$0x4F00] =	vst v0  }
0xf5: {  	v0 =	vld [tilespmem:s0+$0x40]  }
0xf6: {  	v1 =	vld [tilespmem:s3+$0x40];
	_ =	sdelay $0x3  }
0xf7: {  	v0 =	vmul.u32 $0x2710, v0;
	_ =	sdelay $0x1  }
0xf8: {  	v0 =	vadd.s32 v1, v0  }
0xf9: {  	[tilespmem:$0x4F10] =	vst v0  }
0xfa: {  	v0 =	vld [tilespmem:s0+$0x50]  }
0xfb: {  	v1 =	vld [tilespmem:s3+$0x50];
	_ =	sdelay $0x3  }
0xfc: {  	v0 =	vmul.u32 $0x2710, v0;
	_ =	sdelay $0x1  }
0xfd: {  	v0 =	vadd.s32 v1, v0  }
0xfe: {  	[tilespmem:$0x4F20] =	vst v0  }
0xff: {  	v0 =	vld [tilespmem:s0+$0x60]  }
0x100: {  	v1 =	vld [tilespmem:s3+$0x60];
	_ =	sdelay $0x3  }
0x101: {  	v0 =	vmul.u32 $0x2710, v0;
	_ =	sdelay $0x1  }
0x102: {  	v0 =	vadd.s32 v1, v0  }
0x103: {  	[tilespmem:$0x4F30] =	vst v0  }
0x104: {  	v0 =	vld [tilespmem:s0+$0x70]  }
0x105: {  	v1 =	vld [tilespmem:s3+$0x70];
	_ =	sdelay $0x3  }
0x106: {  	v0 =	vmul.u32 $0x2710, v0;
	_ =	sdelay $0x1  }
0x107: {  	s24 =	sadd.s32 s24, s5;
	v0 =	vadd.s32 v1, v0  }
0x108: {  	s24 =	sshrl.u32 s24, $0x3;
	[tilespmem:$0x4F40] =	vst v0  }
0x109: {  	[tilespmem:s9], [sflag:$0x1] =	stream.indirect.gather [hbm4b:s20+s7], $0x80, s8, s7, $0xb8;
	[tilespmem:$0x1D980] =	vst v63  }
0x10a: {  	s24 =	sadd.s32 s21, s24  }
0x10b: {  	[tilespmem:s10], [sflag:$0x3] =	stream.linear.gather [hbm4b:s24+s1], $0x50, $0x38;
	[tilespmem:$0x1D980] =	vst v63  }
0x10c: {  	_ =	swait.ge [sflag:s17], $0x2800  }
0x10d: {  	[sflag:s17] =	ssyncset.done $0x0  }
0x10e: {  	[sflag:s17] =	ssyncadd.s32 $0xFFFFD800  }
.Ltmp0:
0x10f: {  	_ =	swait.ge [sflag:s19], $0x50;
	(pc) =	sbr.rel @p1 .LBB2_2-.Ltmp0, $4  }
0x110: {  	[sflag:s19] =	ssyncset.done $0x0  }
0x111: {  	[sflag:s19] =	ssyncadd.s32 $0xFFFFFFB0  }
0x112: {  	[spmem:s18] =	stream.indirect.scatter.add.f32 [tilespmem:s12], [sflag:$0x5], $0x80, s13, s7, $0xb8;
	[tilespmem:$0x1D980] =	vst v63  }
0x113: {  	s3 =	sadd.s32 $0xA0, s3;
	_ =	swait.ge [sflag:s6], $0x2800  }
0x114: {  	[sflag:s6] =	ssyncset.done $0x0  }
0x115: {  	[sflag:s6] =	ssyncadd.s32 $0xFFFFD800  }
0x116: {  	_ =	swait.ge [sflag:s14], $0x2800  }
0x117: {  	[sflag:s14] =	ssyncset.done $0x0  }
0x118: {  	[sflag:s14] =	ssyncadd.s32 $0xFFFFD800  }
0x119: {  	_ =	swait.ge [sflag:s15], $0x50  }
0x11a: {  	[sflag:s15] =	ssyncset.done $0x0  }
0x11b: {  	[sflag:s15] =	ssyncadd.s32 $0xFFFFFFB0  }
0x11c: {  	[spmem:s18] =	stream.indirect.scatter.add.f32 [tilespmem:s9], [sflag:$0x5], $0x80, s10, s7, $0xb8;
	[tilespmem:$0x1D980] =	vst v63  }
0x11d: {  	_ =	swait.ge [sflag:s6], $0x2800  }
0x11e: {  	[sflag:s6] =	ssyncset.done $0x0  }
0x11f: {  	[sflag:s6] =	ssyncadd.s32 $0xFFFFD800  }
0x120: {  	[bflag:$0x0] =	sbarrier.arrive $0xFFFF  }
0x121: {  	s2 =	sld [smem:$0x7FA];
	_ =	sdelay $0x1  }
0x122: {  	s0 =	rddreg [dreg:$0xd]  }
0x123: {  	[hbm:s0], [sflag:s23] =	dma.local [spmem:s2], $0x500  }
0x124: {  	_ =	swait.ge [sflag:s6], $0x500  }
0x125: {  	s24 =	sld [smem:$0x7FB]  }
0x126: {  	[sflag:s6] =	ssyncset.done $0x0  }
0x127: {  	s4 =	rddreg [dreg:$0xe];
	[sflag:s6] =	ssyncadd.s32 $0xFFFFFB00  }
0x128: {  	[hbm:s4], [sflag:s23] =	dma.local [spmem:s24], $0x500  }
0x129: {  	_ =	swait.ge [sflag:s6], $0x500  }
0x12a: {  	[sflag:s6] =	ssyncset.done $0x0  }
0x12b: {  	s25 =	rddreg [dreg:$0xf];
	[sflag:s6] =	ssyncadd.s32 $0xFFFFFB00  }
0x12c: {  	[hbm:s25], [sflag:s23] =	dma.local [spmem:s26], $0x500  }
0x12d: {  	_ =	swait.ge [sflag:s6], $0x500  }
0x12e: {  	[sflag:s6] =	ssyncset.done $0x0  }
0x12f: {  	s26 =	rddreg [dreg:$0x10];
	[sflag:s6] =	ssyncadd.s32 $0xFFFFFB00  }
0x130: {  	[hbm:s26], [sflag:s23] =	dma.local [spmem:s28], $0x500  }
0x131: {  	_ =	swait.ge [sflag:s6], $0x500  }
0x132: {  	[sflag:s6] =	ssyncset.done $0x0  }
0x133: {  	s28 =	rddreg [dreg:$0x11];
	[sflag:s6] =	ssyncadd.s32 $0xFFFFFB00  }
0x134: {  	[hbm:s28], [sflag:s23] =	dma.local [spmem:s29], $0x500  }
0x135: {  	_ =	swait.ge [sflag:s6], $0x500  }
0x136: {  	[sflag:s6] =	ssyncset.done $0x0  }
0x137: {  	s29 =	rddreg [dreg:$0x12];
	[sflag:s6] =	ssyncadd.s32 $0xFFFFFB00  }
0x138: {  	[hbm:s29], [sflag:s23] =	dma.local [spmem:s30], $0x500  }
0x139: {  	_ =	swait.ge [sflag:s6], $0x500  }
0x13a: {  	[sflag:s6] =	ssyncset.done $0x0  }
0x13b: {  	s30 =	rddreg [dreg:$0x13];
	[sflag:s6] =	ssyncadd.s32 $0xFFFFFB00  }
0x13c: {  	[hbm:s30], [sflag:s23] =	dma.local [spmem:s31], $0x500  }
0x13d: {  	_ =	swait.ge [sflag:s6], $0x500  }
0x13e: {  	[sflag:s6] =	ssyncset.done $0x0  }
0x13f: {  	s0 =	rddreg [dreg:$0x14];
	[sflag:s6] =	ssyncadd.s32 $0xFFFFFB00  }
0x140: {  	[hbm:s0], [sflag:s23] =	dma.local @!p0 [spmem:s16], $0x500  }
0x141: {  	s0 =	simm.s32 @!p0 $0x5  }
0x142: {  	_ =	swait.ge @!p0 [sflag:s0], $0x500  }
0x143: {  	s31 =	sld [smem:$0x7FC];
	_ =	sdelay $0x1  }
0x144: {  	s22 =	sadd.s32 $0x1, s22  }
0x145: {  	p1 =	sne.s32 s22, s31  }
.Ltmp1:
0x146: {  	_ = 	snop;
	(pc) =	sbr.rel @p1 .LBB2_1-.Ltmp1, $3  }
0x147: {  	_ =	sdelay $0x1  }
0x148: {  	[sflag:s0] =	ssyncset.done @!p0 $0x0  }
0x149: {  	[sflag:s0] =	ssyncadd.s32 @!p0 $0xFFFFFB00  }
0x14a: {  	_ =	sfence.sel $0x180000  }
0x14b: {  	[bflag:$0x0] =	sbarrier.arrive $0xFFFF  }
0x14c: {  	_ =	strace $0x90000047  }
0x14d: {  	s0 =	stileid.u32;
	[bflag:$0x2] =	sbarrier.arrive $0xFFFF  }
0x14e: {  	p0 =	sne.s32 s0, $0x0;
	s0 =	rddreg [dreg:$0x4]  }
0x14f: {  	s0 =	sadd.s32 @!p0 $0x100000, s0  }
0x150: {  	[sflag:s0] =	ssyncadd.tile.s32 @!p0 $0x1;
	_ =	shalt  }
.Lfunc_end2:
_tile_overlayer_lowered:
.L_overlay_start_2:
0x151: {  	(tag) =	ssettag $0x2  }
0x152: {  	s0 =	rddreg [dreg:$0x0];
	s2 =	stileid.u32  }
0x153: {  	s1 =	rddreg [dreg:$0x1];
	p0 =	sne.s32 s2, $0x0  }
0x154: {  	s3 =	rddreg [dreg:$0x2];
	[bflag:$0x3] =	sbarrier.arrive $0xFFFF;
	s2 =	simm.s32 @!p0 $0x1C05  }
0x155: {  	[timem:s3], [sflag:s2] =	dma.local @!p0 [hbm:s0], s1  }
0x156: {  	s0 =	simm.s32 @!p0 $0x5  }
0x157: {  	_ =	swait.ge @!p0 [sflag:s0], s1  }
0x158: {  	s1 =	ssub.s32 @!p0 $0x0, s1;
	[sflag:s0] =	ssyncset.done @!p0 $0x0  }
0x159: {  	[sflag:s0] =	ssyncadd.s32 @!p0 s1  }
0x15a: {  	[bflag:$0x3] =	sbarrier.arrive $0xFFFF  }
0x15b: {  	_ =	shalt  }

</sc_bundles>
